<compile_context>
chip_gen: v7x
topology: tpu7x:2x2x1
jax: 0.10.2.dev20260603
libtpu: 0.0.44.dev20260713+nightly
codegen_flags: <defaults>
</compile_context>

<pallas_src>
import jax
import jax.numpy as jnp
from jax import lax
from jax.experimental import pallas as pl
from jax.experimental.pallas import tpu as pltpu
from jax.experimental.pallas import tpu_sc as plsc

N = 100000
E = 1600000
H = 32
NC = 2
NS = 16
NW = NC * NS
NP = 100352
SL = NP // NS
ECE = 12800
NCH = E // ECE
EP = E // NW
EC = 10000
ROWS = NP // 128

_f32 = jnp.float32


def _mesh():
    return plsc.VectorSubcoreMesh(
        core_axis_name="c", subcore_axis_name="s", num_cores=NC)


def _nchunks(w):
    return 3 + jnp.where(w < NCH - 3 * NW, 1, 0)


def _deg_body(ei_hbm, deg_hbm, src_hbm, dst_hbm,
              eiv0, eiv1, sidx_v, didx_v, vals_v, node_a, deg_sh,
              seml0, seml1, semw):
    c = lax.axis_index("c")
    s = lax.axis_index("s")
    w = c * NS + s
    nbase = pl.multiple_of(s * SL, SL)

    def init_i(i, _):
        vals_v[pl.ds(i * 16, 16)] = jnp.full((16,), 1.0, _f32)
        return 0
    lax.fori_loop(0, ECE // 16, init_i, 0)

    def zero_i(i, _):
        node_a[pl.ds(i * 16, 16)] = jnp.zeros((16,), _f32)
        return 0
    lax.fori_loop(0, SL // 16, zero_i, 0)

    pltpu.sync_copy(node_a, deg_sh.at[pl.ds(nbase, SL)])
    plsc.subcore_barrier()

    nc = _nchunks(w)

    def _off(k):
        return pl.multiple_of((w + NW * k) * ECE, 512)

    def _deint(buf):
        def dei(i, _):
            sl = pl.ds(pl.multiple_of(i * 16, 16), 16)
            sidx_v[sl] = buf[0, sl]
            didx_v[sl] = buf[1, sl]
            return 0
        lax.fori_loop(0, ECE // 16, dei, 0)

    def _tail(k):
        wa = pltpu.async_copy(sidx_v, src_hbm.at[pl.ds(_off(k), ECE)], semw)
        wb = pltpu.async_copy(didx_v, dst_hbm.at[pl.ds(_off(k), ECE)], semw)
        pltpu.sync_copy(vals_v, deg_sh.at[didx_v], add=True)
        wa.wait()
        wb.wait()

    bufs = (eiv0, eiv1)
    sems = (seml0, seml1)
    lds = [pltpu.async_copy(ei_hbm.at[:, pl.ds(_off(k), ECE)], bufs[k], sems[k])
           for k in range(2)]
    lds[0].wait()
    _deint(eiv0)
    ld2 = pltpu.async_copy(ei_hbm.at[:, pl.ds(_off(2), ECE)], eiv0, seml0)
    _tail(0)
    lds[1].wait()
    _deint(eiv1)

    @pl.when(nc == 4)
    def _():
        pltpu.async_copy(ei_hbm.at[:, pl.ds(_off(3), ECE)], eiv1, seml1)
    _tail(1)
    ld2.wait()
    _deint(eiv0)
    _tail(2)

    @pl.when(nc == 4)
    def _():
        pltpu.make_async_copy(
            ei_hbm.at[:, pl.ds(_off(3), ECE)], eiv1, seml1).wait()
        _deint(eiv1)
        _tail(3)
    plsc.subcore_barrier()

    pltpu.sync_copy(deg_sh.at[pl.ds(nbase, SL)], node_a)
    pltpu.sync_copy(node_a, deg_hbm.at[c, pl.ds(nbase, SL)])


def _deg_kernel(edge_index):
    f = pl.kernel(
        _deg_body,
        out_type=(
            jax.ShapeDtypeStruct((NC, NP), _f32),
            jax.ShapeDtypeStruct((E,), jnp.int32),
            jax.ShapeDtypeStruct((E,), jnp.int32),
        ),
        mesh=_mesh(),
        scratch_types=[
            pltpu.VMEM((2, ECE), jnp.int32),
            pltpu.VMEM((2, ECE), jnp.int32),
            pltpu.VMEM((ECE,), jnp.int32),
            pltpu.VMEM((ECE,), jnp.int32),
            pltpu.VMEM((ECE,), _f32),
            pltpu.VMEM((SL,), _f32),
            pltpu.VMEM_SHARED((NP,), _f32),
            pltpu.SemaphoreType.DMA,
            pltpu.SemaphoreType.DMA,
            pltpu.SemaphoreType.DMA,
        ],
    )
    return f(edge_index)


def _mlp_body(x0_ref, x1_ref, coef_ref, v_ref):
    x0 = x0_ref[...]
    x1 = x1_ref[...]
    alpha = coef_ref[4 * H]
    cv = coef_ref[4 * H + 1]
    acc = jnp.full_like(x0, cv)
    for j in range(H):
        t = x0 * coef_ref[j] + x1 * coef_ref[H + j] + coef_ref[2 * H + j]
        t = jnp.where(t > 0, t, alpha * t)
        acc = acc + t * coef_ref[3 * H + j]
    v_ref[...] = acc


def _mlp(x0, x1, coef):
    return pl.pallas_call(
        _mlp_body,
        out_shape=jax.ShapeDtypeStruct((ROWS, 128), _f32),
        in_specs=[
            pl.BlockSpec(memory_space=pltpu.VMEM),
            pl.BlockSpec(memory_space=pltpu.VMEM),
            pl.BlockSpec(memory_space=pltpu.SMEM),
        ],
        out_specs=pl.BlockSpec(memory_space=pltpu.VMEM),
    )(x0, x1, coef)


def _dp_body(deg_ref, v_ref, p_ref, dinv_ref):
    d = deg_ref[0] + deg_ref[1] + 1.0
    dinv = lax.rsqrt(d)
    dinv = dinv * (1.5 - 0.5 * d * dinv * dinv)
    dinv_ref[...] = dinv
    p_ref[...] = v_ref[...] * dinv


def _dp(deg, v):
    return pl.pallas_call(
        _dp_body,
        out_shape=(
            jax.ShapeDtypeStruct((ROWS, 128), _f32),
            jax.ShapeDtypeStruct((ROWS, 128), _f32),
        ),
        in_specs=[
            pl.BlockSpec(memory_space=pltpu.VMEM),
            pl.BlockSpec(memory_space=pltpu.VMEM),
        ],
        out_specs=(
            pl.BlockSpec(memory_space=pltpu.VMEM),
            pl.BlockSpec(memory_space=pltpu.VMEM),
        ),
    )(deg, v)


def _agg_body(src_hbm, dst_hbm, p_hbm, a_hbm,
              sidx0, sidx1, didx0, didx1, vals_v, node_a, p_sh, a_sh,
              seml0, seml1):
    c = lax.axis_index("c")
    s = lax.axis_index("s")
    w = c * NS + s
    nbase = pl.multiple_of(s * SL, SL)

    def zero_i(i, _):
        node_a[pl.ds(i * 16, 16)] = jnp.zeros((16,), _f32)
        return 0
    lax.fori_loop(0, SL // 16, zero_i, 0)

    pltpu.sync_copy(node_a, a_sh.at[pl.ds(nbase, SL)])
    pltpu.sync_copy(p_hbm.at[pl.ds(nbase, SL)], node_a)
    pltpu.sync_copy(node_a, p_sh.at[pl.ds(nbase, SL)])
    plsc.subcore_barrier()

    def _off(k):
        return pl.multiple_of(w * EP + k * EC, EC)

    sbufs = (sidx0, sidx1)
    dbufs = (didx0, didx1)
    sems = (seml0, seml1)

    def _load(k):
        b = k % 2
        return (pltpu.async_copy(src_hbm.at[pl.ds(_off(k), EC)], sbufs[b], sems[b]),
                pltpu.async_copy(dst_hbm.at[pl.ds(_off(k), EC)], dbufs[b], sems[b]))

    nk = EP // EC
    pend = _load(0)
    for k in range(nk):
        b = k % 2
        for d in pend:
            d.wait()
        if k + 1 < nk:
            pend = _load(k + 1)
        pltpu.sync_copy(p_sh.at[sbufs[b]], vals_v)
        pltpu.sync_copy(vals_v, a_sh.at[dbufs[b]], add=True)
    plsc.subcore_barrier()

    pltpu.sync_copy(a_sh.at[pl.ds(nbase, SL)], node_a)
    pltpu.sync_copy(node_a, a_hbm.at[c, pl.ds(nbase, SL)])


def _agg_kernel(src, dst, p):
    f = pl.kernel(
        _agg_body,
        out_type=jax.ShapeDtypeStruct((NC, NP), _f32),
        mesh=_mesh(),
        scratch_types=[
            pltpu.VMEM((EC,), jnp.int32),
            pltpu.VMEM((EC,), jnp.int32),
            pltpu.VMEM((EC,), jnp.int32),
            pltpu.VMEM((EC,), jnp.int32),
            pltpu.VMEM((EC,), _f32),
            pltpu.VMEM((SL,), _f32),
            pltpu.VMEM_SHARED((NP,), _f32),
            pltpu.VMEM_SHARED((NP,), _f32),
            pltpu.SemaphoreType.DMA,
            pltpu.SemaphoreType.DMA,
        ],
    )
    return f(src, dst, p)


def _fin_body(a_ref, p_ref, dinv_ref, cst_ref, out_ref):
    out_ref[...] = dinv_ref[...] * (a_ref[0] + a_ref[1] + p_ref[...]) + cst_ref[0]


def _fin(a_part, p, dinv, cst):
    return pl.pallas_call(
        _fin_body,
        out_shape=jax.ShapeDtypeStruct((ROWS, 128), _f32),
        in_specs=[
            pl.BlockSpec(memory_space=pltpu.VMEM),
            pl.BlockSpec(memory_space=pltpu.VMEM),
            pl.BlockSpec(memory_space=pltpu.VMEM),
            pl.BlockSpec(memory_space=pltpu.SMEM),
        ],
        out_specs=pl.BlockSpec(memory_space=pltpu.VMEM),
    )(a_part, p, dinv, cst)


@jax.jit
def kernel(x, edge_index, W1, b1, gamma, beta, alpha, W2, b2, Wg, bg, Ww, bw):
    wgw = Wg @ Ww
    wv = (W2 @ wgw)[:, 0]
    cv = (b2 @ wgw)[0]
    const = (bg @ Ww)[0] + bw[0]
    a0 = gamma * W1[0]
    a1 = gamma * W1[1]
    cc = gamma * b1 + beta
    coef = jnp.concatenate([
        a0, a1, cc, wv,
        jnp.reshape(alpha, (1,)), jnp.reshape(cv, (1,)),
    ]).astype(_f32)

    x0 = jnp.pad(x[:, 0], (0, NP - N)).reshape(ROWS, 128)
    x1 = jnp.pad(x[:, 1], (0, NP - N)).reshape(ROWS, 128)
    v = _mlp(x0, x1, coef)

    deg_part, src_flat, dst_flat = _deg_kernel(edge_index)
    p, dinv = _dp(deg_part.reshape(NC, ROWS, 128), v)

    a_part = _agg_kernel(src_flat, dst_flat, p.reshape(NP))
    scores = _fin(a_part.reshape(NC, ROWS, 128), p, dinv,
                  jnp.reshape(const, (1,)))
    return scores.reshape(NP)[:N]

# --- scband reference (transcript-rebuilt; emitter-appended) ---
"""Pipeline reference for scband-gcnbody-39376260169850 (READ-ONLY COPY).

The authoritative reference and input builder live on the scoring server;
editing this copy changes nothing except your own understanding.
"""

import jax, jax.numpy as jnp
import numpy as np

N = 100000
E = 1600000
H = 32

def setup_inputs(seed: int = 0) -> dict:
    key = jax.random.key(seed)
    ks = jax.random.split(key, 12)
    x = jax.random.normal(ks[0], (N, 2), dtype=jnp.float32)
    edge_index = jax.random.randint(ks[1], (2, E), 0, N, dtype=jnp.int32)
    W1 = jax.random.normal(ks[2], (2, H), dtype=jnp.float32) * 0.1
    b1 = jnp.zeros((H,), jnp.float32)
    gamma = jnp.ones((H,), jnp.float32)
    beta = jnp.zeros((H,), jnp.float32)
    alpha = jnp.asarray(0.25, dtype=jnp.float32)
    W2 = jax.random.normal(ks[3], (H, H), dtype=jnp.float32) * 0.1
    b2 = jnp.zeros((H,), jnp.float32)
    Wg = jax.random.normal(ks[4], (H, H), dtype=jnp.float32) * 0.1
    bg = jnp.zeros((H,), jnp.float32)
    Ww = jax.random.normal(ks[5], (H, 1), dtype=jnp.float32) * 0.1
    bw = jnp.zeros((1,), jnp.float32)
    return {"x": x, "edge_index": edge_index, "W1": W1, "b1": b1, "gamma": gamma, "beta": beta, "alpha": alpha, "W2": W2, "b2": b2, "Wg": Wg, "bg": bg, "Ww": Ww, "bw": bw}

def reference(x, edge_index, W1, b1, gamma, beta, alpha, W2, b2, Wg, bg, Ww, bw):
    # encoder / input_mlp: Linear(2,32) -> BatchNorm1d(32) eval-mode -> PReLU -> Dropout(p=0, no-op) -> Linear(32,32)
    h = x @ W1 + b1
    h = gamma * h + beta  # BN with running_mean=0, running_var=1 (eval mode)
    h = jnp.where(h > 0, h, alpha * h)  # PReLU
    h = h @ W2 + b2
    # GCNConv(32, 32): symmetric-normalized aggregation with self-loops
    self_idx = jnp.arange(N, dtype=edge_index.dtype)
    src = jnp.concatenate([edge_index[0], self_idx])
    dst = jnp.concatenate([edge_index[1], self_idx])
    deg = jnp.zeros((N,), jnp.float32).at[dst].add(1.0)
    dinv = jax.lax.rsqrt(jnp.maximum(deg, 1.0))
    norm = dinv[src] * dinv[dst]
    ht = h @ Wg
    msg = ht[src] * norm[:, None]
    agg = jnp.zeros((N, H), jnp.float32).at[dst].add(msg) + bg
    # w_b: Linear(32, 1) then squeeze
    scores = (agg @ Ww + bw).squeeze(-1)
    return scores

if __name__ == "__main__":
    import jax
    _d = setup_inputs()
    print(jax.jit(kernel)(*tuple(_d.values())))

</pallas_src>

<mosaic_0001>
#map = affine_map<(d0, d1) -> (0)>
#map1 = affine_map<(d0, d1) -> (0, 0)>
module attributes {stable_mosaic.version = 14 : i64} {
  func.func @_agg_body(%arg0: i32, %arg1: i32, %arg2: memref<1600000xi32, #tpu.memory_space<hbm>>, %arg3: memref<1600000xi32, #tpu.memory_space<hbm>>, %arg4: memref<100352xf32, #tpu.memory_space<hbm>>, %arg5: memref<2x100352xf32, #tpu.memory_space<hbm>>, %arg6: memref<10000xi32, #tpu.memory_space<vmem>>, %arg7: memref<10000xi32, #tpu.memory_space<vmem>>, %arg8: memref<10000xi32, #tpu.memory_space<vmem>>, %arg9: memref<10000xi32, #tpu.memory_space<vmem>>, %arg10: memref<10000xf32, #tpu.memory_space<vmem>>, %arg11: memref<6272xf32, #tpu.memory_space<vmem>>, %arg12: memref<100352xf32, #tpu.memory_space<vmem_shared>>, %arg13: memref<100352xf32, #tpu.memory_space<vmem_shared>>, %arg14: memref<!tpu.dma_semaphore, #tpu.memory_space<semaphore_mem>>, %arg15: memref<!tpu.dma_semaphore, #tpu.memory_space<semaphore_mem>>) attributes {dimension_semantics = [#tpu.dimension_semantics<core_parallel>, #tpu.dimension_semantics<subcore_parallel>], iteration_bounds = array<i64: 2, 16>, scalar_prefetch = 0 : i64, scratch_operands = 10 : i64, tpu.core_type = #tpu.core_type<sc_vector_subcore>, window_params = [{transform_indices = #map}, {transform_indices = #map}, {transform_indices = #map}, {transform_indices = #map1}]} {
    %mul3A = arith.constant 16 : i32
    %mul3A_0 = arith.muli %arg0, %mul3A : i32
    %add3A = arith.addi %mul3A_0, %arg1 : i32
    %mul3A_1 = arith.constant 6272 : i32
    %mul3A_2 = arith.muli %arg1, %mul3A_1 : i32
    %multiple_of3A = tpu.assume_multiple %mul3A_2, 6272 : i32
    %scan3A = arith.constant 0 : i32
    %scan3A_3 = arith.constant 0 : i32
    %scan3A_4 = arith.constant 392 : i32
    %scan3A_5 = arith.addi %scan3A_3, %scan3A_4 : i32
    %scan3A_6 = arith.constant 1 : i32
    %scan3A_7 = scf.for %scan3A_98 = %scan3A_3 to %scan3A_5 step %scan3A_6 iter_args(%scan3A_99 = %scan3A) -> (i32)  : i32 {
      %broadcast_in_dim3A = arith.constant 0.000000e+00 : f32
      %broadcast_in_dim3A_100 = vector.broadcast %broadcast_in_dim3A : f32 to vector<16xf32>
      %mul3A_101 = arith.constant 16 : i32
      %mul3A_102 = arith.muli %scan3A_98, %mul3A_101 : i32
      %swap3A = arith.index_cast %mul3A_102 : i32 to index
      %swap3A_103 = tpu.vector_load %arg11[%swap3A] {strides = array<i32>} : memref<6272xf32, #tpu.memory_space<vmem>>, vector<16xf32>,
      %swap3A_104 = vector.shape_cast %swap3A_103 : vector<16xf32> to vector<16xf32>
      %swap3A_105 = vector.shape_cast %broadcast_in_dim3A_100 : vector<16xf32> to vector<16xf32>
      tpu.vector_store %arg11[%swap3A], %swap3A_105 {strides = array<i32>} : memref<6272xf32, #tpu.memory_space<vmem>>, vector<16xf32>,
      %scan3A_106 = arith.constant 0 : i32
      scf.yield %scan3A_106 : i32
    }
    %scan3A_8 = arith.constant 392 : i32
    "tpu.region"() ({
      %run_scoped3A = tpu.sem_alloc : memref<!tpu.dma_semaphore, #tpu.memory_space<semaphore_mem>>
      %dma_start3A_98 = tpu.memref_slice %arg13[%multiple_of3A] : memref<100352xf32, #tpu.memory_space<vmem_shared>> -> memref<6272xf32, #tpu.memory_space<vmem_shared>>
      %dma_start3A_99 = tpu.memref_slice %arg13[%multiple_of3A] : memref<100352xf32, #tpu.memory_space<vmem_shared>> -> memref<6272xf32, #tpu.memory_space<vmem_shared>>
      tpu.enqueue_dma source(%arg11 : memref<6272xf32, #tpu.memory_space<vmem>>) target(%dma_start3A_99 : memref<6272xf32, #tpu.memory_space<vmem_shared>>) target_semaphore(%run_scoped3A : memref<!tpu.dma_semaphore, #tpu.memory_space<semaphore_mem>>)
      %dma_wait3A_100 = tpu.memref_slice %arg13[%multiple_of3A] : memref<100352xf32, #tpu.memory_space<vmem_shared>> -> memref<6272xf32, #tpu.memory_space<vmem_shared>>
      %dma_wait3A_101 = tpu.memref_slice %arg13[%multiple_of3A] : memref<100352xf32, #tpu.memory_space<vmem_shared>> -> memref<6272xf32, #tpu.memory_space<vmem_shared>>
      tpu.wait_dma2 semaphore(%run_scoped3A : memref<!tpu.dma_semaphore, #tpu.memory_space<semaphore_mem>>) src(%arg11 : memref<6272xf32, #tpu.memory_space<vmem>>) dst(%dma_wait3A_101 : memref<6272xf32, #tpu.memory_space<vmem_shared>>)
      tpu.yield
    }) : () -> ()
    "tpu.region"() ({
      %run_scoped3A = tpu.sem_alloc : memref<!tpu.dma_semaphore, #tpu.memory_space<semaphore_mem>>
      %dma_start3A_98 = tpu.memref_slice %arg4[%multiple_of3A] : memref<100352xf32, #tpu.memory_space<hbm>> -> memref<6272xf32, #tpu.memory_space<hbm>>
      %dma_start3A_99 = tpu.memref_slice %arg4[%multiple_of3A] : memref<100352xf32, #tpu.memory_space<hbm>> -> memref<6272xf32, #tpu.memory_space<hbm>>
      tpu.enqueue_dma source(%dma_start3A_99 : memref<6272xf32, #tpu.memory_space<hbm>>) target(%arg11 : memref<6272xf32, #tpu.memory_space<vmem>>) target_semaphore(%run_scoped3A : memref<!tpu.dma_semaphore, #tpu.memory_space<semaphore_mem>>)
      %dma_wait3A_100 = tpu.memref_slice %arg4[%multiple_of3A] : memref<100352xf32, #tpu.memory_space<hbm>> -> memref<6272xf32, #tpu.memory_space<hbm>>
      %dma_wait3A_101 = tpu.memref_slice %arg4[%multiple_of3A] : memref<100352xf32, #tpu.memory_space<hbm>> -> memref<6272xf32, #tpu.memory_space<hbm>>
      tpu.wait_dma2 semaphore(%run_scoped3A : memref<!tpu.dma_semaphore, #tpu.memory_space<semaphore_mem>>) src(%dma_wait3A_101 : memref<6272xf32, #tpu.memory_space<hbm>>) dst(%arg11 : memref<6272xf32, #tpu.memory_space<vmem>>)
      tpu.yield
    }) : () -> ()
    "tpu.region"() ({
      %run_scoped3A = tpu.sem_alloc : memref<!tpu.dma_semaphore, #tpu.memory_space<semaphore_mem>>
      %dma_start3A_98 = tpu.memref_slice %arg12[%multiple_of3A] : memref<100352xf32, #tpu.memory_space<vmem_shared>> -> memref<6272xf32, #tpu.memory_space<vmem_shared>>
      %dma_start3A_99 = tpu.memref_slice %arg12[%multiple_of3A] : memref<100352xf32, #tpu.memory_space<vmem_shared>> -> memref<6272xf32, #tpu.memory_space<vmem_shared>>
      tpu.enqueue_dma source(%arg11 : memref<6272xf32, #tpu.memory_space<vmem>>) target(%dma_start3A_99 : memref<6272xf32, #tpu.memory_space<vmem_shared>>) target_semaphore(%run_scoped3A : memref<!tpu.dma_semaphore, #tpu.memory_space<semaphore_mem>>)
      %dma_wait3A_100 = tpu.memref_slice %arg12[%multiple_of3A] : memref<100352xf32, #tpu.memory_space<vmem_shared>> -> memref<6272xf32, #tpu.memory_space<vmem_shared>>
      %dma_wait3A_101 = tpu.memref_slice %arg12[%multiple_of3A] : memref<100352xf32, #tpu.memory_space<vmem_shared>> -> memref<6272xf32, #tpu.memory_space<vmem_shared>>
      tpu.wait_dma2 semaphore(%run_scoped3A : memref<!tpu.dma_semaphore, #tpu.memory_space<semaphore_mem>>) src(%arg11 : memref<6272xf32, #tpu.memory_space<vmem>>) dst(%dma_wait3A_101 : memref<6272xf32, #tpu.memory_space<vmem_shared>>)
      tpu.yield
    }) : () -> ()
    %barrier3A = arith.constant 0 : index
    tpu.barrier barrier_id(%barrier3A)
    %mul3A_9 = arith.constant 50000 : i32
    %mul3A_10 = arith.muli %add3A, %mul3A_9 : i32
    %add3A_11 = arith.constant 0 : i32
    %add3A_12 = arith.addi %mul3A_10, %add3A_11 : i32
    %multiple_of3A_13 = tpu.assume_multiple %add3A_12, 10000 : i32
    %dma_start3A = tpu.memref_slice %arg2[%multiple_of3A_13] : memref<1600000xi32, #tpu.memory_space<hbm>> -> memref<10000xi32, #tpu.memory_space<hbm>>
    %dma_start3A_14 = tpu.memref_slice %arg2[%multiple_of3A_13] : memref<1600000xi32, #tpu.memory_space<hbm>> -> memref<10000xi32, #tpu.memory_space<hbm>>
    tpu.enqueue_dma source(%dma_start3A_14 : memref<10000xi32, #tpu.memory_space<hbm>>) target(%arg6 : memref<10000xi32, #tpu.memory_space<vmem>>) target_semaphore(%arg14 : memref<!tpu.dma_semaphore, #tpu.memory_space<semaphore_mem>>)
    %mul3A_15 = arith.constant 50000 : i32
    %mul3A_16 = arith.muli %add3A, %mul3A_15 : i32
    %add3A_17 = arith.constant 0 : i32
    %add3A_18 = arith.addi %mul3A_16, %add3A_17 : i32
    %multiple_of3A_19 = tpu.assume_multiple %add3A_18, 10000 : i32
    %dma_start3A_20 = tpu.memref_slice %arg3[%multiple_of3A_19] : memref<1600000xi32, #tpu.memory_space<hbm>> -> memref<10000xi32, #tpu.memory_space<hbm>>
    %dma_start3A_21 = tpu.memref_slice %arg3[%multiple_of3A_19] : memref<1600000xi32, #tpu.memory_space<hbm>> -> memref<10000xi32, #tpu.memory_space<hbm>>
    tpu.enqueue_dma source(%dma_start3A_21 : memref<10000xi32, #tpu.memory_space<hbm>>) target(%arg8 : memref<10000xi32, #tpu.memory_space<vmem>>) target_semaphore(%arg14 : memref<!tpu.dma_semaphore, #tpu.memory_space<semaphore_mem>>)
    %dma_wait3A = tpu.memref_slice %arg2[%multiple_of3A_13] : memref<1600000xi32, #tpu.memory_space<hbm>> -> memref<10000xi32, #tpu.memory_space<hbm>>
    %dma_wait3A_22 = tpu.memref_slice %arg2[%multiple_of3A_13] : memref<1600000xi32, #tpu.memory_space<hbm>> -> memref<10000xi32, #tpu.memory_space<hbm>>
    tpu.wait_dma2 semaphore(%arg14 : memref<!tpu.dma_semaphore, #tpu.memory_space<semaphore_mem>>) src(%dma_wait3A_22 : memref<10000xi32, #tpu.memory_space<hbm>>) dst(%arg6 : memref<10000xi32, #tpu.memory_space<vmem>>)
    %dma_wait3A_23 = tpu.memref_slice %arg3[%multiple_of3A_19] : memref<1600000xi32, #tpu.memory_space<hbm>> -> memref<10000xi32, #tpu.memory_space<hbm>>
    %dma_wait3A_24 = tpu.memref_slice %arg3[%multiple_of3A_19] : memref<1600000xi32, #tpu.memory_space<hbm>> -> memref<10000xi32, #tpu.memory_space<hbm>>
    tpu.wait_dma2 semaphore(%arg14 : memref<!tpu.dma_semaphore, #tpu.memory_space<semaphore_mem>>) src(%dma_wait3A_24 : memref<10000xi32, #tpu.memory_space<hbm>>) dst(%arg8 : memref<10000xi32, #tpu.memory_space<vmem>>)
    %mul3A_25 = arith.constant 50000 : i32
    %mul3A_26 = arith.muli %add3A, %mul3A_25 : i32
    %add3A_27 = arith.constant 10000 : i32
    %add3A_28 = arith.addi %mul3A_26, %add3A_27 : i32
    %multiple_of3A_29 = tpu.assume_multiple %add3A_28, 10000 : i32
    %dma_start3A_30 = tpu.memref_slice %arg2[%multiple_of3A_29] : memref<1600000xi32, #tpu.memory_space<hbm>> -> memref<10000xi32, #tpu.memory_space<hbm>>
    %dma_start3A_31 = tpu.memref_slice %arg2[%multiple_of3A_29] : memref<1600000xi32, #tpu.memory_space<hbm>> -> memref<10000xi32, #tpu.memory_space<hbm>>
    tpu.enqueue_dma source(%dma_start3A_31 : memref<10000xi32, #tpu.memory_space<hbm>>) target(%arg7 : memref<10000xi32, #tpu.memory_space<vmem>>) target_semaphore(%arg15 : memref<!tpu.dma_semaphore, #tpu.memory_space<semaphore_mem>>)
    %mul3A_32 = arith.constant 50000 : i32
    %mul3A_33 = arith.muli %add3A, %mul3A_32 : i32
    %add3A_34 = arith.constant 10000 : i32
    %add3A_35 = arith.addi %mul3A_33, %add3A_34 : i32
    %multiple_of3A_36 = tpu.assume_multiple %add3A_35, 10000 : i32
    %dma_start3A_37 = tpu.memref_slice %arg3[%multiple_of3A_36] : memref<1600000xi32, #tpu.memory_space<hbm>> -> memref<10000xi32, #tpu.memory_space<hbm>>
    %dma_start3A_38 = tpu.memref_slice %arg3[%multiple_of3A_36] : memref<1600000xi32, #tpu.memory_space<hbm>> -> memref<10000xi32, #tpu.memory_space<hbm>>
    tpu.enqueue_dma source(%dma_start3A_38 : memref<10000xi32, #tpu.memory_space<hbm>>) target(%arg9 : memref<10000xi32, #tpu.memory_space<vmem>>) target_semaphore(%arg15 : memref<!tpu.dma_semaphore, #tpu.memory_space<semaphore_mem>>)
    "tpu.region"() ({
      %run_scoped3A = tpu.sem_alloc : memref<!tpu.dma_semaphore, #tpu.memory_space<semaphore_mem>>
      %dma_start3A_98 = arith.constant 0 : i32
      %dma_start3A_99 = tpu.memref_slice %arg12[%dma_start3A_98] : memref<100352xf32, #tpu.memory_space<vmem_shared>> -> memref<100352xf32, #tpu.memory_space<vmem_shared>>
      tpu.enqueue_indirect_dma source(%dma_start3A_99 : memref<100352xf32, #tpu.memory_space<vmem_shared>>) target(%arg10 : memref<10000xf32, #tpu.memory_space<vmem>>) offsets(%arg6 : memref<10000xi32, #tpu.memory_space<vmem>>) semaphore(%run_scoped3A : memref<!tpu.dma_semaphore, #tpu.memory_space<semaphore_mem>>)
      %dma_wait3A_100 = arith.constant 0 : i32
      %dma_wait3A_101 = tpu.memref_slice %arg12[%dma_wait3A_100] : memref<100352xf32, #tpu.memory_space<vmem_shared>> -> memref<100352xf32, #tpu.memory_space<vmem_shared>>
      tpu.wait_indirect_dma semaphore(%run_scoped3A : memref<!tpu.dma_semaphore, #tpu.memory_space<semaphore_mem>>) src(%dma_wait3A_101 : memref<100352xf32, #tpu.memory_space<vmem_shared>>) dst(%arg10 : memref<10000xf32, #tpu.memory_space<vmem>>)
      tpu.yield
    }) : () -> ()
    "tpu.region"() ({
      %run_scoped3A = tpu.sem_alloc : memref<!tpu.dma_semaphore, #tpu.memory_space<semaphore_mem>>
      %dma_start3A_98 = arith.constant 0 : i32
      %dma_start3A_99 = tpu.memref_slice %arg13[%dma_start3A_98] : memref<100352xf32, #tpu.memory_space<vmem_shared>> -> memref<100352xf32, #tpu.memory_space<vmem_shared>>
      tpu.enqueue_indirect_dma source(%arg10 : memref<10000xf32, #tpu.memory_space<vmem>>) target(%dma_start3A_99 : memref<100352xf32, #tpu.memory_space<vmem_shared>>) offsets(%arg8 : memref<10000xi32, #tpu.memory_space<vmem>>) semaphore(%run_scoped3A : memref<!tpu.dma_semaphore, #tpu.memory_space<semaphore_mem>>) {add = true}
      %dma_wait3A_100 = arith.constant 0 : i32
      %dma_wait3A_101 = tpu.memref_slice %arg13[%dma_wait3A_100] : memref<100352xf32, #tpu.memory_space<vmem_shared>> -> memref<100352xf32, #tpu.memory_space<vmem_shared>>
      tpu.wait_indirect_dma semaphore(%run_scoped3A : memref<!tpu.dma_semaphore, #tpu.memory_space<semaphore_mem>>) src(%arg10 : memref<10000xf32, #tpu.memory_space<vmem>>) dst(%dma_wait3A_101 : memref<100352xf32, #tpu.memory_space<vmem_shared>>)
      tpu.yield
    }) : () -> ()
    %dma_wait3A_39 = tpu.memref_slice %arg2[%multiple_of3A_29] : memref<1600000xi32, #tpu.memory_space<hbm>> -> memref<10000xi32, #tpu.memory_space<hbm>>
    %dma_wait3A_40 = tpu.memref_slice %arg2[%multiple_of3A_29] : memref<1600000xi32, #tpu.memory_space<hbm>> -> memref<10000xi32, #tpu.memory_space<hbm>>
    tpu.wait_dma2 semaphore(%arg15 : memref<!tpu.dma_semaphore, #tpu.memory_space<semaphore_mem>>) src(%dma_wait3A_40 : memref<10000xi32, #tpu.memory_space<hbm>>) dst(%arg7 : memref<10000xi32, #tpu.memory_space<vmem>>)
    %dma_wait3A_41 = tpu.memref_slice %arg3[%multiple_of3A_36] : memref<1600000xi32, #tpu.memory_space<hbm>> -> memref<10000xi32, #tpu.memory_space<hbm>>
    %dma_wait3A_42 = tpu.memref_slice %arg3[%multiple_of3A_36] : memref<1600000xi32, #tpu.memory_space<hbm>> -> memref<10000xi32, #tpu.memory_space<hbm>>
    tpu.wait_dma2 semaphore(%arg15 : memref<!tpu.dma_semaphore, #tpu.memory_space<semaphore_mem>>) src(%dma_wait3A_42 : memref<10000xi32, #tpu.memory_space<hbm>>) dst(%arg9 : memref<10000xi32, #tpu.memory_space<vmem>>)
    %mul3A_43 = arith.constant 50000 : i32
    %mul3A_44 = arith.muli %add3A, %mul3A_43 : i32
    %add3A_45 = arith.constant 20000 : i32
    %add3A_46 = arith.addi %mul3A_44, %add3A_45 : i32
    %multiple_of3A_47 = tpu.assume_multiple %add3A_46, 10000 : i32
    %dma_start3A_48 = tpu.memref_slice %arg2[%multiple_of3A_47] : memref<1600000xi32, #tpu.memory_space<hbm>> -> memref<10000xi32, #tpu.memory_space<hbm>>
    %dma_start3A_49 = tpu.memref_slice %arg2[%multiple_of3A_47] : memref<1600000xi32, #tpu.memory_space<hbm>> -> memref<10000xi32, #tpu.memory_space<hbm>>
    tpu.enqueue_dma source(%dma_start3A_49 : memref<10000xi32, #tpu.memory_space<hbm>>) target(%arg6 : memref<10000xi32, #tpu.memory_space<vmem>>) target_semaphore(%arg14 : memref<!tpu.dma_semaphore, #tpu.memory_space<semaphore_mem>>)
    %mul3A_50 = arith.constant 50000 : i32
    %mul3A_51 = arith.muli %add3A, %mul3A_50 : i32
    %add3A_52 = arith.constant 20000 : i32
    %add3A_53 = arith.addi %mul3A_51, %add3A_52 : i32
    %multiple_of3A_54 = tpu.assume_multiple %add3A_53, 10000 : i32
    %dma_start3A_55 = tpu.memref_slice %arg3[%multiple_of3A_54] : memref<1600000xi32, #tpu.memory_space<hbm>> -> memref<10000xi32, #tpu.memory_space<hbm>>
    %dma_start3A_56 = tpu.memref_slice %arg3[%multiple_of3A_54] : memref<1600000xi32, #tpu.memory_space<hbm>> -> memref<10000xi32, #tpu.memory_space<hbm>>
    tpu.enqueue_dma source(%dma_start3A_56 : memref<10000xi32, #tpu.memory_space<hbm>>) target(%arg8 : memref<10000xi32, #tpu.memory_space<vmem>>) target_semaphore(%arg14 : memref<!tpu.dma_semaphore, #tpu.memory_space<semaphore_mem>>)
    "tpu.region"() ({
      %run_scoped3A = tpu.sem_alloc : memref<!tpu.dma_semaphore, #tpu.memory_space<semaphore_mem>>
      %dma_start3A_98 = arith.constant 0 : i32
      %dma_start3A_99 = tpu.memref_slice %arg12[%dma_start3A_98] : memref<100352xf32, #tpu.memory_space<vmem_shared>> -> memref<100352xf32, #tpu.memory_space<vmem_shared>>
      tpu.enqueue_indirect_dma source(%dma_start3A_99 : memref<100352xf32, #tpu.memory_space<vmem_shared>>) target(%arg10 : memref<10000xf32, #tpu.memory_space<vmem>>) offsets(%arg7 : memref<10000xi32, #tpu.memory_space<vmem>>) semaphore(%run_scoped3A : memref<!tpu.dma_semaphore, #tpu.memory_space<semaphore_mem>>)
      %dma_wait3A_100 = arith.constant 0 : i32
      %dma_wait3A_101 = tpu.memref_slice %arg12[%dma_wait3A_100] : memref<100352xf32, #tpu.memory_space<vmem_shared>> -> memref<100352xf32, #tpu.memory_space<vmem_shared>>
      tpu.wait_indirect_dma semaphore(%run_scoped3A : memref<!tpu.dma_semaphore, #tpu.memory_space<semaphore_mem>>) src(%dma_wait3A_101 : memref<100352xf32, #tpu.memory_space<vmem_shared>>) dst(%arg10 : memref<10000xf32, #tpu.memory_space<vmem>>)
      tpu.yield
    }) : () -> ()
    "tpu.region"() ({
      %run_scoped3A = tpu.sem_alloc : memref<!tpu.dma_semaphore, #tpu.memory_space<semaphore_mem>>
      %dma_start3A_98 = arith.constant 0 : i32
      %dma_start3A_99 = tpu.memref_slice %arg13[%dma_start3A_98] : memref<100352xf32, #tpu.memory_space<vmem_shared>> -> memref<100352xf32, #tpu.memory_space<vmem_shared>>
      tpu.enqueue_indirect_dma source(%arg10 : memref<10000xf32, #tpu.memory_space<vmem>>) target(%dma_start3A_99 : memref<100352xf32, #tpu.memory_space<vmem_shared>>) offsets(%arg9 : memref<10000xi32, #tpu.memory_space<vmem>>) semaphore(%run_scoped3A : memref<!tpu.dma_semaphore, #tpu.memory_space<semaphore_mem>>) {add = true}
      %dma_wait3A_100 = arith.constant 0 : i32
      %dma_wait3A_101 = tpu.memref_slice %arg13[%dma_wait3A_100] : memref<100352xf32, #tpu.memory_space<vmem_shared>> -> memref<100352xf32, #tpu.memory_space<vmem_shared>>
      tpu.wait_indirect_dma semaphore(%run_scoped3A : memref<!tpu.dma_semaphore, #tpu.memory_space<semaphore_mem>>) src(%arg10 : memref<10000xf32, #tpu.memory_space<vmem>>) dst(%dma_wait3A_101 : memref<100352xf32, #tpu.memory_space<vmem_shared>>)
      tpu.yield
    }) : () -> ()
    %dma_wait3A_57 = tpu.memref_slice %arg2[%multiple_of3A_47] : memref<1600000xi32, #tpu.memory_space<hbm>> -> memref<10000xi32, #tpu.memory_space<hbm>>
    %dma_wait3A_58 = tpu.memref_slice %arg2[%multiple_of3A_47] : memref<1600000xi32, #tpu.memory_space<hbm>> -> memref<10000xi32, #tpu.memory_space<hbm>>
    tpu.wait_dma2 semaphore(%arg14 : memref<!tpu.dma_semaphore, #tpu.memory_space<semaphore_mem>>) src(%dma_wait3A_58 : memref<10000xi32, #tpu.memory_space<hbm>>) dst(%arg6 : memref<10000xi32, #tpu.memory_space<vmem>>)
    %dma_wait3A_59 = tpu.memref_slice %arg3[%multiple_of3A_54] : memref<1600000xi32, #tpu.memory_space<hbm>> -> memref<10000xi32, #tpu.memory_space<hbm>>
    %dma_wait3A_60 = tpu.memref_slice %arg3[%multiple_of3A_54] : memref<1600000xi32, #tpu.memory_space<hbm>> -> memref<10000xi32, #tpu.memory_space<hbm>>
    tpu.wait_dma2 semaphore(%arg14 : memref<!tpu.dma_semaphore, #tpu.memory_space<semaphore_mem>>) src(%dma_wait3A_60 : memref<10000xi32, #tpu.memory_space<hbm>>) dst(%arg8 : memref<10000xi32, #tpu.memory_space<vmem>>)
    %mul3A_61 = arith.constant 50000 : i32
    %mul3A_62 = arith.muli %add3A, %mul3A_61 : i32
    %add3A_63 = arith.constant 30000 : i32
    %add3A_64 = arith.addi %mul3A_62, %add3A_63 : i32
    %multiple_of3A_65 = tpu.assume_multiple %add3A_64, 10000 : i32
    %dma_start3A_66 = tpu.memref_slice %arg2[%multiple_of3A_65] : memref<1600000xi32, #tpu.memory_space<hbm>> -> memref<10000xi32, #tpu.memory_space<hbm>>
    %dma_start3A_67 = tpu.memref_slice %arg2[%multiple_of3A_65] : memref<1600000xi32, #tpu.memory_space<hbm>> -> memref<10000xi32, #tpu.memory_space<hbm>>
    tpu.enqueue_dma source(%dma_start3A_67 : memref<10000xi32, #tpu.memory_space<hbm>>) target(%arg7 : memref<10000xi32, #tpu.memory_space<vmem>>) target_semaphore(%arg15 : memref<!tpu.dma_semaphore, #tpu.memory_space<semaphore_mem>>)
    %mul3A_68 = arith.constant 50000 : i32
    %mul3A_69 = arith.muli %add3A, %mul3A_68 : i32
    %add3A_70 = arith.constant 30000 : i32
    %add3A_71 = arith.addi %mul3A_69, %add3A_70 : i32
    %multiple_of3A_72 = tpu.assume_multiple %add3A_71, 10000 : i32
    %dma_start3A_73 = tpu.memref_slice %arg3[%multiple_of3A_72] : memref<1600000xi32, #tpu.memory_space<hbm>> -> memref<10000xi32, #tpu.memory_space<hbm>>
    %dma_start3A_74 = tpu.memref_slice %arg3[%multiple_of3A_72] : memref<1600000xi32, #tpu.memory_space<hbm>> -> memref<10000xi32, #tpu.memory_space<hbm>>
    tpu.enqueue_dma source(%dma_start3A_74 : memref<10000xi32, #tpu.memory_space<hbm>>) target(%arg9 : memref<10000xi32, #tpu.memory_space<vmem>>) target_semaphore(%arg15 : memref<!tpu.dma_semaphore, #tpu.memory_space<semaphore_mem>>)
    "tpu.region"() ({
      %run_scoped3A = tpu.sem_alloc : memref<!tpu.dma_semaphore, #tpu.memory_space<semaphore_mem>>
      %dma_start3A_98 = arith.constant 0 : i32
      %dma_start3A_99 = tpu.memref_slice %arg12[%dma_start3A_98] : memref<100352xf32, #tpu.memory_space<vmem_shared>> -> memref<100352xf32, #tpu.memory_space<vmem_shared>>
      tpu.enqueue_indirect_dma source(%dma_start3A_99 : memref<100352xf32, #tpu.memory_space<vmem_shared>>) target(%arg10 : memref<10000xf32, #tpu.memory_space<vmem>>) offsets(%arg6 : memref<10000xi32, #tpu.memory_space<vmem>>) semaphore(%run_scoped3A : memref<!tpu.dma_semaphore, #tpu.memory_space<semaphore_mem>>)
      %dma_wait3A_100 = arith.constant 0 : i32
      %dma_wait3A_101 = tpu.memref_slice %arg12[%dma_wait3A_100] : memref<100352xf32, #tpu.memory_space<vmem_shared>> -> memref<100352xf32, #tpu.memory_space<vmem_shared>>
      tpu.wait_indirect_dma semaphore(%run_scoped3A : memref<!tpu.dma_semaphore, #tpu.memory_space<semaphore_mem>>) src(%dma_wait3A_101 : memref<100352xf32, #tpu.memory_space<vmem_shared>>) dst(%arg10 : memref<10000xf32, #tpu.memory_space<vmem>>)
      tpu.yield
    }) : () -> ()
    "tpu.region"() ({
      %run_scoped3A = tpu.sem_alloc : memref<!tpu.dma_semaphore, #tpu.memory_space<semaphore_mem>>
      %dma_start3A_98 = arith.constant 0 : i32
      %dma_start3A_99 = tpu.memref_slice %arg13[%dma_start3A_98] : memref<100352xf32, #tpu.memory_space<vmem_shared>> -> memref<100352xf32, #tpu.memory_space<vmem_shared>>
      tpu.enqueue_indirect_dma source(%arg10 : memref<10000xf32, #tpu.memory_space<vmem>>) target(%dma_start3A_99 : memref<100352xf32, #tpu.memory_space<vmem_shared>>) offsets(%arg8 : memref<10000xi32, #tpu.memory_space<vmem>>) semaphore(%run_scoped3A : memref<!tpu.dma_semaphore, #tpu.memory_space<semaphore_mem>>) {add = true}
      %dma_wait3A_100 = arith.constant 0 : i32
      %dma_wait3A_101 = tpu.memref_slice %arg13[%dma_wait3A_100] : memref<100352xf32, #tpu.memory_space<vmem_shared>> -> memref<100352xf32, #tpu.memory_space<vmem_shared>>
      tpu.wait_indirect_dma semaphore(%run_scoped3A : memref<!tpu.dma_semaphore, #tpu.memory_space<semaphore_mem>>) src(%arg10 : memref<10000xf32, #tpu.memory_space<vmem>>) dst(%dma_wait3A_101 : memref<100352xf32, #tpu.memory_space<vmem_shared>>)
      tpu.yield
    }) : () -> ()
    %dma_wait3A_75 = tpu.memref_slice %arg2[%multiple_of3A_65] : memref<1600000xi32, #tpu.memory_space<hbm>> -> memref<10000xi32, #tpu.memory_space<hbm>>
    %dma_wait3A_76 = tpu.memref_slice %arg2[%multiple_of3A_65] : memref<1600000xi32, #tpu.memory_space<hbm>> -> memref<10000xi32, #tpu.memory_space<hbm>>
    tpu.wait_dma2 semaphore(%arg15 : memref<!tpu.dma_semaphore, #tpu.memory_space<semaphore_mem>>) src(%dma_wait3A_76 : memref<10000xi32, #tpu.memory_space<hbm>>) dst(%arg7 : memref<10000xi32, #tpu.memory_space<vmem>>)
    %dma_wait3A_77 = tpu.memref_slice %arg3[%multiple_of3A_72] : memref<1600000xi32, #tpu.memory_space<hbm>> -> memref<10000xi32, #tpu.memory_space<hbm>>
    %dma_wait3A_78 = tpu.memref_slice %arg3[%multiple_of3A_72] : memref<1600000xi32, #tpu.memory_space<hbm>> -> memref<10000xi32, #tpu.memory_space<hbm>>
    tpu.wait_dma2 semaphore(%arg15 : memref<!tpu.dma_semaphore, #tpu.memory_space<semaphore_mem>>) src(%dma_wait3A_78 : memref<10000xi32, #tpu.memory_space<hbm>>) dst(%arg9 : memref<10000xi32, #tpu.memory_space<vmem>>)
    %mul3A_79 = arith.constant 50000 : i32
    %mul3A_80 = arith.muli %add3A, %mul3A_79 : i32
    %add3A_81 = arith.constant 40000 : i32
    %add3A_82 = arith.addi %mul3A_80, %add3A_81 : i32
    %multiple_of3A_83 = tpu.assume_multiple %add3A_82, 10000 : i32
    %dma_start3A_84 = tpu.memref_slice %arg2[%multiple_of3A_83] : memref<1600000xi32, #tpu.memory_space<hbm>> -> memref<10000xi32, #tpu.memory_space<hbm>>
    %dma_start3A_85 = tpu.memref_slice %arg2[%multiple_of3A_83] : memref<1600000xi32, #tpu.memory_space<hbm>> -> memref<10000xi32, #tpu.memory_space<hbm>>
    tpu.enqueue_dma source(%dma_start3A_85 : memref<10000xi32, #tpu.memory_space<hbm>>) target(%arg6 : memref<10000xi32, #tpu.memory_space<vmem>>) target_semaphore(%arg14 : memref<!tpu.dma_semaphore, #tpu.memory_space<semaphore_mem>>)
    %mul3A_86 = arith.constant 50000 : i32
    %mul3A_87 = arith.muli %add3A, %mul3A_86 : i32
    %add3A_88 = arith.constant 40000 : i32
    %add3A_89 = arith.addi %mul3A_87, %add3A_88 : i32
    %multiple_of3A_90 = tpu.assume_multiple %add3A_89, 10000 : i32
    %dma_start3A_91 = tpu.memref_slice %arg3[%multiple_of3A_90] : memref<1600000xi32, #tpu.memory_space<hbm>> -> memref<10000xi32, #tpu.memory_space<hbm>>
    %dma_start3A_92 = tpu.memref_slice %arg3[%multiple_of3A_90] : memref<1600000xi32, #tpu.memory_space<hbm>> -> memref<10000xi32, #tpu.memory_space<hbm>>
    tpu.enqueue_dma source(%dma_start3A_92 : memref<10000xi32, #tpu.memory_space<hbm>>) target(%arg8 : memref<10000xi32, #tpu.memory_space<vmem>>) target_semaphore(%arg14 : memref<!tpu.dma_semaphore, #tpu.memory_space<semaphore_mem>>)
    "tpu.region"() ({
      %run_scoped3A = tpu.sem_alloc : memref<!tpu.dma_semaphore, #tpu.memory_space<semaphore_mem>>
      %dma_start3A_98 = arith.constant 0 : i32
      %dma_start3A_99 = tpu.memref_slice %arg12[%dma_start3A_98] : memref<100352xf32, #tpu.memory_space<vmem_shared>> -> memref<100352xf32, #tpu.memory_space<vmem_shared>>
      tpu.enqueue_indirect_dma source(%dma_start3A_99 : memref<100352xf32, #tpu.memory_space<vmem_shared>>) target(%arg10 : memref<10000xf32, #tpu.memory_space<vmem>>) offsets(%arg7 : memref<10000xi32, #tpu.memory_space<vmem>>) semaphore(%run_scoped3A : memref<!tpu.dma_semaphore, #tpu.memory_space<semaphore_mem>>)
      %dma_wait3A_100 = arith.constant 0 : i32
      %dma_wait3A_101 = tpu.memref_slice %arg12[%dma_wait3A_100] : memref<100352xf32, #tpu.memory_space<vmem_shared>> -> memref<100352xf32, #tpu.memory_space<vmem_shared>>
      tpu.wait_indirect_dma semaphore(%run_scoped3A : memref<!tpu.dma_semaphore, #tpu.memory_space<semaphore_mem>>) src(%dma_wait3A_101 : memref<100352xf32, #tpu.memory_space<vmem_shared>>) dst(%arg10 : memref<10000xf32, #tpu.memory_space<vmem>>)
      tpu.yield
    }) : () -> ()
    "tpu.region"() ({
      %run_scoped3A = tpu.sem_alloc : memref<!tpu.dma_semaphore, #tpu.memory_space<semaphore_mem>>
      %dma_start3A_98 = arith.constant 0 : i32
      %dma_start3A_99 = tpu.memref_slice %arg13[%dma_start3A_98] : memref<100352xf32, #tpu.memory_space<vmem_shared>> -> memref<100352xf32, #tpu.memory_space<vmem_shared>>
      tpu.enqueue_indirect_dma source(%arg10 : memref<10000xf32, #tpu.memory_space<vmem>>) target(%dma_start3A_99 : memref<100352xf32, #tpu.memory_space<vmem_shared>>) offsets(%arg9 : memref<10000xi32, #tpu.memory_space<vmem>>) semaphore(%run_scoped3A : memref<!tpu.dma_semaphore, #tpu.memory_space<semaphore_mem>>) {add = true}
      %dma_wait3A_100 = arith.constant 0 : i32
      %dma_wait3A_101 = tpu.memref_slice %arg13[%dma_wait3A_100] : memref<100352xf32, #tpu.memory_space<vmem_shared>> -> memref<100352xf32, #tpu.memory_space<vmem_shared>>
      tpu.wait_indirect_dma semaphore(%run_scoped3A : memref<!tpu.dma_semaphore, #tpu.memory_space<semaphore_mem>>) src(%arg10 : memref<10000xf32, #tpu.memory_space<vmem>>) dst(%dma_wait3A_101 : memref<100352xf32, #tpu.memory_space<vmem_shared>>)
      tpu.yield
    }) : () -> ()
    %dma_wait3A_93 = tpu.memref_slice %arg2[%multiple_of3A_83] : memref<1600000xi32, #tpu.memory_space<hbm>> -> memref<10000xi32, #tpu.memory_space<hbm>>
    %dma_wait3A_94 = tpu.memref_slice %arg2[%multiple_of3A_83] : memref<1600000xi32, #tpu.memory_space<hbm>> -> memref<10000xi32, #tpu.memory_space<hbm>>
    tpu.wait_dma2 semaphore(%arg14 : memref<!tpu.dma_semaphore, #tpu.memory_space<semaphore_mem>>) src(%dma_wait3A_94 : memref<10000xi32, #tpu.memory_space<hbm>>) dst(%arg6 : memref<10000xi32, #tpu.memory_space<vmem>>)
    %dma_wait3A_95 = tpu.memref_slice %arg3[%multiple_of3A_90] : memref<1600000xi32, #tpu.memory_space<hbm>> -> memref<10000xi32, #tpu.memory_space<hbm>>
    %dma_wait3A_96 = tpu.memref_slice %arg3[%multiple_of3A_90] : memref<1600000xi32, #tpu.memory_space<hbm>> -> memref<10000xi32, #tpu.memory_space<hbm>>
    tpu.wait_dma2 semaphore(%arg14 : memref<!tpu.dma_semaphore, #tpu.memory_space<semaphore_mem>>) src(%dma_wait3A_96 : memref<10000xi32, #tpu.memory_space<hbm>>) dst(%arg8 : memref<10000xi32, #tpu.memory_space<vmem>>)
    "tpu.region"() ({
      %run_scoped3A = tpu.sem_alloc : memref<!tpu.dma_semaphore, #tpu.memory_space<semaphore_mem>>
      %dma_start3A_98 = arith.constant 0 : i32
      %dma_start3A_99 = tpu.memref_slice %arg12[%dma_start3A_98] : memref<100352xf32, #tpu.memory_space<vmem_shared>> -> memref<100352xf32, #tpu.memory_space<vmem_shared>>
      tpu.enqueue_indirect_dma source(%dma_start3A_99 : memref<100352xf32, #tpu.memory_space<vmem_shared>>) target(%arg10 : memref<10000xf32, #tpu.memory_space<vmem>>) offsets(%arg6 : memref<10000xi32, #tpu.memory_space<vmem>>) semaphore(%run_scoped3A : memref<!tpu.dma_semaphore, #tpu.memory_space<semaphore_mem>>)
      %dma_wait3A_100 = arith.constant 0 : i32
      %dma_wait3A_101 = tpu.memref_slice %arg12[%dma_wait3A_100] : memref<100352xf32, #tpu.memory_space<vmem_shared>> -> memref<100352xf32, #tpu.memory_space<vmem_shared>>
      tpu.wait_indirect_dma semaphore(%run_scoped3A : memref<!tpu.dma_semaphore, #tpu.memory_space<semaphore_mem>>) src(%dma_wait3A_101 : memref<100352xf32, #tpu.memory_space<vmem_shared>>) dst(%arg10 : memref<10000xf32, #tpu.memory_space<vmem>>)
      tpu.yield
    }) : () -> ()
    "tpu.region"() ({
      %run_scoped3A = tpu.sem_alloc : memref<!tpu.dma_semaphore, #tpu.memory_space<semaphore_mem>>
      %dma_start3A_98 = arith.constant 0 : i32
      %dma_start3A_99 = tpu.memref_slice %arg13[%dma_start3A_98] : memref<100352xf32, #tpu.memory_space<vmem_shared>> -> memref<100352xf32, #tpu.memory_space<vmem_shared>>
      tpu.enqueue_indirect_dma source(%arg10 : memref<10000xf32, #tpu.memory_space<vmem>>) target(%dma_start3A_99 : memref<100352xf32, #tpu.memory_space<vmem_shared>>) offsets(%arg8 : memref<10000xi32, #tpu.memory_space<vmem>>) semaphore(%run_scoped3A : memref<!tpu.dma_semaphore, #tpu.memory_space<semaphore_mem>>) {add = true}
      %dma_wait3A_100 = arith.constant 0 : i32
      %dma_wait3A_101 = tpu.memref_slice %arg13[%dma_wait3A_100] : memref<100352xf32, #tpu.memory_space<vmem_shared>> -> memref<100352xf32, #tpu.memory_space<vmem_shared>>
      tpu.wait_indirect_dma semaphore(%run_scoped3A : memref<!tpu.dma_semaphore, #tpu.memory_space<semaphore_mem>>) src(%arg10 : memref<10000xf32, #tpu.memory_space<vmem>>) dst(%dma_wait3A_101 : memref<100352xf32, #tpu.memory_space<vmem_shared>>)
      tpu.yield
    }) : () -> ()
    %barrier3A_97 = arith.constant 0 : index
    tpu.barrier barrier_id(%barrier3A_97)
    "tpu.region"() ({
      %run_scoped3A = tpu.sem_alloc : memref<!tpu.dma_semaphore, #tpu.memory_space<semaphore_mem>>
      %dma_start3A_98 = tpu.memref_slice %arg13[%multiple_of3A] : memref<100352xf32, #tpu.memory_space<vmem_shared>> -> memref<6272xf32, #tpu.memory_space<vmem_shared>>
      %dma_start3A_99 = tpu.memref_slice %arg13[%multiple_of3A] : memref<100352xf32, #tpu.memory_space<vmem_shared>> -> memref<6272xf32, #tpu.memory_space<vmem_shared>>
      tpu.enqueue_dma source(%dma_start3A_99 : memref<6272xf32, #tpu.memory_space<vmem_shared>>) target(%arg11 : memref<6272xf32, #tpu.memory_space<vmem>>) target_semaphore(%run_scoped3A : memref<!tpu.dma_semaphore, #tpu.memory_space<semaphore_mem>>)
      %dma_wait3A_100 = tpu.memref_slice %arg13[%multiple_of3A] : memref<100352xf32, #tpu.memory_space<vmem_shared>> -> memref<6272xf32, #tpu.memory_space<vmem_shared>>
      %dma_wait3A_101 = tpu.memref_slice %arg13[%multiple_of3A] : memref<100352xf32, #tpu.memory_space<vmem_shared>> -> memref<6272xf32, #tpu.memory_space<vmem_shared>>
      tpu.wait_dma2 semaphore(%run_scoped3A : memref<!tpu.dma_semaphore, #tpu.memory_space<semaphore_mem>>) src(%dma_wait3A_101 : memref<6272xf32, #tpu.memory_space<vmem_shared>>) dst(%arg11 : memref<6272xf32, #tpu.memory_space<vmem>>)
      tpu.yield
    }) : () -> ()
    "tpu.region"() ({
      %run_scoped3A = tpu.sem_alloc : memref<!tpu.dma_semaphore, #tpu.memory_space<semaphore_mem>>
      %dma_start3A_98 = tpu.memref_slice %arg5[%arg0, %multiple_of3A] : memref<2x100352xf32, #tpu.memory_space<hbm>> -> memref<1x6272xf32, #tpu.memory_space<hbm>>
      %dma_start3A_99 = tpu.memref_squeeze %dma_start3A_98 : memref<1x6272xf32, #tpu.memory_space<hbm>> -> memref<6272xf32, #tpu.memory_space<hbm>>
      %dma_start3A_100 = tpu.memref_slice %arg5[%arg0, %multiple_of3A] : memref<2x100352xf32, #tpu.memory_space<hbm>> -> memref<1x6272xf32, #tpu.memory_space<hbm>>
      %dma_start3A_101 = tpu.memref_squeeze %dma_start3A_100 : memref<1x6272xf32, #tpu.memory_space<hbm>> -> memref<6272xf32, #tpu.memory_space<hbm>>
      tpu.enqueue_dma source(%arg11 : memref<6272xf32, #tpu.memory_space<vmem>>) target(%dma_start3A_101 : memref<6272xf32, #tpu.memory_space<hbm>>) target_semaphore(%run_scoped3A : memref<!tpu.dma_semaphore, #tpu.memory_space<semaphore_mem>>)
      %dma_wait3A_102 = tpu.memref_slice %arg5[%arg0, %multiple_of3A] : memref<2x100352xf32, #tpu.memory_space<hbm>> -> memref<1x6272xf32, #tpu.memory_space<hbm>>
      %dma_wait3A_103 = tpu.memref_squeeze %dma_wait3A_102 : memref<1x6272xf32, #tpu.memory_space<hbm>> -> memref<6272xf32, #tpu.memory_space<hbm>>
      %dma_wait3A_104 = tpu.memref_slice %arg5[%arg0, %multiple_of3A] : memref<2x100352xf32, #tpu.memory_space<hbm>> -> memref<1x6272xf32, #tpu.memory_space<hbm>>
      %dma_wait3A_105 = tpu.memref_squeeze %dma_wait3A_104 : memref<1x6272xf32, #tpu.memory_space<hbm>> -> memref<6272xf32, #tpu.memory_space<hbm>>
      tpu.wait_dma2 semaphore(%run_scoped3A : memref<!tpu.dma_semaphore, #tpu.memory_space<semaphore_mem>>) src(%arg11 : memref<6272xf32, #tpu.memory_space<vmem>>) dst(%dma_wait3A_105 : memref<6272xf32, #tpu.memory_space<hbm>>)
      tpu.yield
    }) : () -> ()
    return
  }
}

#map = affine_map<(d0, d1) -> (0, 0)>
#map1 = affine_map<(d0, d1) -> (0)>
module attributes {stable_mosaic.version = 14 : i64} {
  func.func @_deg_body(%arg0: i32, %arg1: i32, %arg2: memref<2x1600000xi32, #tpu.memory_space<hbm>>, %arg3: memref<2x100352xf32, #tpu.memory_space<hbm>>, %arg4: memref<1600000xi32, #tpu.memory_space<hbm>>, %arg5: memref<1600000xi32, #tpu.memory_space<hbm>>, %arg6: memref<2x12800xi32, #tpu.memory_space<vmem>>, %arg7: memref<2x12800xi32, #tpu.memory_space<vmem>>, %arg8: memref<12800xi32, #tpu.memory_space<vmem>>, %arg9: memref<12800xi32, #tpu.memory_space<vmem>>, %arg10: memref<12800xf32, #tpu.memory_space<vmem>>, %arg11: memref<6272xf32, #tpu.memory_space<vmem>>, %arg12: memref<100352xf32, #tpu.memory_space<vmem_shared>>, %arg13: memref<!tpu.dma_semaphore, #tpu.memory_space<semaphore_mem>>, %arg14: memref<!tpu.dma_semaphore, #tpu.memory_space<semaphore_mem>>, %arg15: memref<!tpu.dma_semaphore, #tpu.memory_space<semaphore_mem>>) attributes {dimension_semantics = [#tpu.dimension_semantics<core_parallel>, #tpu.dimension_semantics<subcore_parallel>], iteration_bounds = array<i64: 2, 16>, scalar_prefetch = 0 : i64, scratch_operands = 10 : i64, tpu.core_type = #tpu.core_type<sc_vector_subcore>, window_params = [{transform_indices = #map}, {transform_indices = #map}, {transform_indices = #map1}, {transform_indices = #map1}]} {
    %mul3A = arith.constant 16 : i32
    %mul3A_0 = arith.muli %arg0, %mul3A : i32
    %add3A = arith.addi %mul3A_0, %arg1 : i32
    %mul3A_1 = arith.constant 6272 : i32
    %mul3A_2 = arith.muli %arg1, %mul3A_1 : i32
    %multiple_of3A = tpu.assume_multiple %mul3A_2, 6272 : i32
    %scan3A = arith.constant 0 : i32
    %scan3A_3 = arith.constant 0 : i32
    %scan3A_4 = arith.constant 800 : i32
    %scan3A_5 = arith.addi %scan3A_3, %scan3A_4 : i32
    %scan3A_6 = arith.constant 1 : i32
    %scan3A_7 = scf.for %scan3A_140 = %scan3A_3 to %scan3A_5 step %scan3A_6 iter_args(%scan3A_141 = %scan3A) -> (i32)  : i32 {
      %broadcast_in_dim3A = arith.constant 1.000000e+00 : f32
      %broadcast_in_dim3A_142 = vector.broadcast %broadcast_in_dim3A : f32 to vector<16xf32>
      %mul3A_143 = arith.constant 16 : i32
      %mul3A_144 = arith.muli %scan3A_140, %mul3A_143 : i32
      %swap3A = arith.index_cast %mul3A_144 : i32 to index
      %swap3A_145 = tpu.vector_load %arg10[%swap3A] {strides = array<i32>} : memref<12800xf32, #tpu.memory_space<vmem>>, vector<16xf32>,
      %swap3A_146 = vector.shape_cast %swap3A_145 : vector<16xf32> to vector<16xf32>
      %swap3A_147 = vector.shape_cast %broadcast_in_dim3A_142 : vector<16xf32> to vector<16xf32>
      tpu.vector_store %arg10[%swap3A], %swap3A_147 {strides = array<i32>} : memref<12800xf32, #tpu.memory_space<vmem>>, vector<16xf32>,
      %scan3A_148 = arith.constant 0 : i32
      scf.yield %scan3A_148 : i32
    }
    %scan3A_8 = arith.constant 800 : i32
    %scan3A_9 = arith.constant 0 : i32
    %scan3A_10 = arith.constant 0 : i32
    %scan3A_11 = arith.constant 392 : i32
    %scan3A_12 = arith.addi %scan3A_10, %scan3A_11 : i32
    %scan3A_13 = arith.constant 1 : i32
    %scan3A_14 = scf.for %scan3A_140 = %scan3A_10 to %scan3A_12 step %scan3A_13 iter_args(%scan3A_141 = %scan3A_9) -> (i32)  : i32 {
      %broadcast_in_dim3A = arith.constant 0.000000e+00 : f32
      %broadcast_in_dim3A_142 = vector.broadcast %broadcast_in_dim3A : f32 to vector<16xf32>
      %mul3A_143 = arith.constant 16 : i32
      %mul3A_144 = arith.muli %scan3A_140, %mul3A_143 : i32
      %swap3A = arith.index_cast %mul3A_144 : i32 to index
      %swap3A_145 = tpu.vector_load %arg11[%swap3A] {strides = array<i32>} : memref<6272xf32, #tpu.memory_space<vmem>>, vector<16xf32>,
      %swap3A_146 = vector.shape_cast %swap3A_145 : vector<16xf32> to vector<16xf32>
      %swap3A_147 = vector.shape_cast %broadcast_in_dim3A_142 : vector<16xf32> to vector<16xf32>
      tpu.vector_store %arg11[%swap3A], %swap3A_147 {strides = array<i32>} : memref<6272xf32, #tpu.memory_space<vmem>>, vector<16xf32>,
      %scan3A_148 = arith.constant 0 : i32
      scf.yield %scan3A_148 : i32
    }
    %scan3A_15 = arith.constant 392 : i32
    "tpu.region"() ({
      %run_scoped3A = tpu.sem_alloc : memref<!tpu.dma_semaphore, #tpu.memory_space<semaphore_mem>>
      %dma_start3A_140 = tpu.memref_slice %arg12[%multiple_of3A] : memref<100352xf32, #tpu.memory_space<vmem_shared>> -> memref<6272xf32, #tpu.memory_space<vmem_shared>>
      %dma_start3A_141 = tpu.memref_slice %arg12[%multiple_of3A] : memref<100352xf32, #tpu.memory_space<vmem_shared>> -> memref<6272xf32, #tpu.memory_space<vmem_shared>>
      tpu.enqueue_dma source(%arg11 : memref<6272xf32, #tpu.memory_space<vmem>>) target(%dma_start3A_141 : memref<6272xf32, #tpu.memory_space<vmem_shared>>) target_semaphore(%run_scoped3A : memref<!tpu.dma_semaphore, #tpu.memory_space<semaphore_mem>>)
      %dma_wait3A_142 = tpu.memref_slice %arg12[%multiple_of3A] : memref<100352xf32, #tpu.memory_space<vmem_shared>> -> memref<6272xf32, #tpu.memory_space<vmem_shared>>
      %dma_wait3A_143 = tpu.memref_slice %arg12[%multiple_of3A] : memref<100352xf32, #tpu.memory_space<vmem_shared>> -> memref<6272xf32, #tpu.memory_space<vmem_shared>>
      tpu.wait_dma2 semaphore(%run_scoped3A : memref<!tpu.dma_semaphore, #tpu.memory_space<semaphore_mem>>) src(%arg11 : memref<6272xf32, #tpu.memory_space<vmem>>) dst(%dma_wait3A_143 : memref<6272xf32, #tpu.memory_space<vmem_shared>>)
      tpu.yield
    }) : () -> ()
    %barrier3A = arith.constant 0 : index
    tpu.barrier barrier_id(%barrier3A)
    %lt3A = arith.constant 29 : i32
    %lt3A_16 = arith.cmpi slt, %add3A, %lt3A : i32
    %jit3A = arith.constant 1 : i32
    %jit3A_17 = arith.constant 0 : i32
    %select_n3A = arith.select %lt3A_16, %jit3A, %jit3A_17 : i32
    %add3A_18 = arith.constant 3 : i32
    %add3A_19 = arith.addi %add3A_18, %select_n3A : i32
    %add3A_20 = arith.constant 0 : i32
    %add3A_21 = arith.addi %add3A, %add3A_20 : i32
    %mul3A_22 = arith.constant 12800 : i32
    %mul3A_23 = arith.muli %add3A_21, %mul3A_22 : i32
    %multiple_of3A_24 = tpu.assume_multiple %mul3A_23, 512 : i32
    %dma_start3A = arith.constant 0 : i32
    %dma_start3A_25 = tpu.memref_slice %arg2[%dma_start3A, %multiple_of3A_24] : memref<2x1600000xi32, #tpu.memory_space<hbm>> -> memref<2x12800xi32, #tpu.memory_space<hbm>>
    %dma_start3A_26 = arith.constant 0 : i32
    %dma_start3A_27 = tpu.memref_slice %arg2[%dma_start3A_26, %multiple_of3A_24] : memref<2x1600000xi32, #tpu.memory_space<hbm>> -> memref<2x12800xi32, #tpu.memory_space<hbm>>
    tpu.enqueue_dma source(%dma_start3A_27 : memref<2x12800xi32, #tpu.memory_space<hbm>>) target(%arg6 : memref<2x12800xi32, #tpu.memory_space<vmem>>) target_semaphore(%arg13 : memref<!tpu.dma_semaphore, #tpu.memory_space<semaphore_mem>>)
    %add3A_28 = arith.constant 32 : i32
    %add3A_29 = arith.addi %add3A, %add3A_28 : i32
    %mul3A_30 = arith.constant 12800 : i32
    %mul3A_31 = arith.muli %add3A_29, %mul3A_30 : i32
    %multiple_of3A_32 = tpu.assume_multiple %mul3A_31, 512 : i32
    %dma_start3A_33 = arith.constant 0 : i32
    %dma_start3A_34 = tpu.memref_slice %arg2[%dma_start3A_33, %multiple_of3A_32] : memref<2x1600000xi32, #tpu.memory_space<hbm>> -> memref<2x12800xi32, #tpu.memory_space<hbm>>
    %dma_start3A_35 = arith.constant 0 : i32
    %dma_start3A_36 = tpu.memref_slice %arg2[%dma_start3A_35, %multiple_of3A_32] : memref<2x1600000xi32, #tpu.memory_space<hbm>> -> memref<2x12800xi32, #tpu.memory_space<hbm>>
    tpu.enqueue_dma source(%dma_start3A_36 : memref<2x12800xi32, #tpu.memory_space<hbm>>) target(%arg7 : memref<2x12800xi32, #tpu.memory_space<vmem>>) target_semaphore(%arg14 : memref<!tpu.dma_semaphore, #tpu.memory_space<semaphore_mem>>)
    %dma_wait3A = arith.constant 0 : i32
    %dma_wait3A_37 = tpu.memref_slice %arg2[%dma_wait3A, %multiple_of3A_24] : memref<2x1600000xi32, #tpu.memory_space<hbm>> -> memref<2x12800xi32, #tpu.memory_space<hbm>>
    %dma_wait3A_38 = arith.constant 0 : i32
    %dma_wait3A_39 = tpu.memref_slice %arg2[%dma_wait3A_38, %multiple_of3A_24] : memref<2x1600000xi32, #tpu.memory_space<hbm>> -> memref<2x12800xi32, #tpu.memory_space<hbm>>
    tpu.wait_dma2 semaphore(%arg13 : memref<!tpu.dma_semaphore, #tpu.memory_space<semaphore_mem>>) src(%dma_wait3A_39 : memref<2x12800xi32, #tpu.memory_space<hbm>>) dst(%arg6 : memref<2x12800xi32, #tpu.memory_space<vmem>>)
    %scan3A_40 = arith.constant 0 : i32
    %scan3A_41 = arith.constant 0 : i32
    %scan3A_42 = arith.constant 800 : i32
    %scan3A_43 = arith.addi %scan3A_41, %scan3A_42 : i32
    %scan3A_44 = arith.constant 1 : i32
    %scan3A_45 = scf.for %scan3A_140 = %scan3A_41 to %scan3A_43 step %scan3A_44 iter_args(%scan3A_141 = %scan3A_40) -> (i32)  : i32 {
      %mul3A_142 = arith.constant 16 : i32
      %mul3A_143 = arith.muli %scan3A_140, %mul3A_142 : i32
      %multiple_of3A_144 = tpu.assume_multiple %mul3A_143, 16 : i32
      %get3A = arith.constant 0 : i32
      %get3A_145 = arith.index_cast %get3A : i32 to index
      %get3A_146 = arith.index_cast %multiple_of3A_144 : i32 to index
      %get3A_147 = tpu.vector_load %arg6[%get3A_145, %get3A_146] {strides = array<i32>} : memref<2x12800xi32, #tpu.memory_space<vmem>>, vector<1x16xi32>,
      %get3A_148 = vector.shape_cast %get3A_147 : vector<1x16xi32> to vector<16xi32>
      %swap3A = arith.index_cast %multiple_of3A_144 : i32 to index
      %swap3A_149 = tpu.vector_load %arg8[%swap3A] {strides = array<i32>} : memref<12800xi32, #tpu.memory_space<vmem>>, vector<16xi32>,
      %swap3A_150 = vector.shape_cast %swap3A_149 : vector<16xi32> to vector<16xi32>
      %swap3A_151 = vector.shape_cast %get3A_148 : vector<16xi32> to vector<16xi32>
      tpu.vector_store %arg8[%swap3A], %swap3A_151 {strides = array<i32>} : memref<12800xi32, #tpu.memory_space<vmem>>, vector<16xi32>,
      %get3A_152 = arith.constant 1 : i32
      %get3A_153 = arith.index_cast %get3A_152 : i32 to index
      %get3A_154 = arith.index_cast %multiple_of3A_144 : i32 to index
      %get3A_155 = tpu.vector_load %arg6[%get3A_153, %get3A_154] {strides = array<i32>} : memref<2x12800xi32, #tpu.memory_space<vmem>>, vector<1x16xi32>,
      %get3A_156 = vector.shape_cast %get3A_155 : vector<1x16xi32> to vector<16xi32>
      %swap3A_157 = arith.index_cast %multiple_of3A_144 : i32 to index
      %swap3A_158 = tpu.vector_load %arg9[%swap3A_157] {strides = array<i32>} : memref<12800xi32, #tpu.memory_space<vmem>>, vector<16xi32>,
      %swap3A_159 = vector.shape_cast %swap3A_158 : vector<16xi32> to vector<16xi32>
      %swap3A_160 = vector.shape_cast %get3A_156 : vector<16xi32> to vector<16xi32>
      tpu.vector_store %arg9[%swap3A_157], %swap3A_160 {strides = array<i32>} : memref<12800xi32, #tpu.memory_space<vmem>>, vector<16xi32>,
      %scan3A_161 = arith.constant 0 : i32
      scf.yield %scan3A_161 : i32
    }
    %scan3A_46 = arith.constant 800 : i32
    %add3A_47 = arith.constant 64 : i32
    %add3A_48 = arith.addi %add3A, %add3A_47 : i32
    %mul3A_49 = arith.constant 12800 : i32
    %mul3A_50 = arith.muli %add3A_48, %mul3A_49 : i32
    %multiple_of3A_51 = tpu.assume_multiple %mul3A_50, 512 : i32
    %dma_start3A_52 = arith.constant 0 : i32
    %dma_start3A_53 = tpu.memref_slice %arg2[%dma_start3A_52, %multiple_of3A_51] : memref<2x1600000xi32, #tpu.memory_space<hbm>> -> memref<2x12800xi32, #tpu.memory_space<hbm>>
    %dma_start3A_54 = arith.constant 0 : i32
    %dma_start3A_55 = tpu.memref_slice %arg2[%dma_start3A_54, %multiple_of3A_51] : memref<2x1600000xi32, #tpu.memory_space<hbm>> -> memref<2x12800xi32, #tpu.memory_space<hbm>>
    tpu.enqueue_dma source(%dma_start3A_55 : memref<2x12800xi32, #tpu.memory_space<hbm>>) target(%arg6 : memref<2x12800xi32, #tpu.memory_space<vmem>>) target_semaphore(%arg13 : memref<!tpu.dma_semaphore, #tpu.memory_space<semaphore_mem>>)
    %add3A_56 = arith.constant 0 : i32
    %add3A_57 = arith.addi %add3A, %add3A_56 : i32
    %mul3A_58 = arith.constant 12800 : i32
    %mul3A_59 = arith.muli %add3A_57, %mul3A_58 : i32
    %multiple_of3A_60 = tpu.assume_multiple %mul3A_59, 512 : i32
    %dma_start3A_61 = tpu.memref_slice %arg4[%multiple_of3A_60] : memref<1600000xi32, #tpu.memory_space<hbm>> -> memref<12800xi32, #tpu.memory_space<hbm>>
    %dma_start3A_62 = tpu.memref_slice %arg4[%multiple_of3A_60] : memref<1600000xi32, #tpu.memory_space<hbm>> -> memref<12800xi32, #tpu.memory_space<hbm>>
    tpu.enqueue_dma source(%arg8 : memref<12800xi32, #tpu.memory_space<vmem>>) target(%dma_start3A_62 : memref<12800xi32, #tpu.memory_space<hbm>>) target_semaphore(%arg15 : memref<!tpu.dma_semaphore, #tpu.memory_space<semaphore_mem>>)
    %add3A_63 = arith.constant 0 : i32
    %add3A_64 = arith.addi %add3A, %add3A_63 : i32
    %mul3A_65 = arith.constant 12800 : i32
    %mul3A_66 = arith.muli %add3A_64, %mul3A_65 : i32
    %multiple_of3A_67 = tpu.assume_multiple %mul3A_66, 512 : i32
    %dma_start3A_68 = tpu.memref_slice %arg5[%multiple_of3A_67] : memref<1600000xi32, #tpu.memory_space<hbm>> -> memref<12800xi32, #tpu.memory_space<hbm>>
    %dma_start3A_69 = tpu.memref_slice %arg5[%multiple_of3A_67] : memref<1600000xi32, #tpu.memory_space<hbm>> -> memref<12800xi32, #tpu.memory_space<hbm>>
    tpu.enqueue_dma source(%arg9 : memref<12800xi32, #tpu.memory_space<vmem>>) target(%dma_start3A_69 : memref<12800xi32, #tpu.memory_space<hbm>>) target_semaphore(%arg15 : memref<!tpu.dma_semaphore, #tpu.memory_space<semaphore_mem>>)
    "tpu.region"() ({
      %run_scoped3A = tpu.sem_alloc : memref<!tpu.dma_semaphore, #tpu.memory_space<semaphore_mem>>
      %dma_start3A_140 = arith.constant 0 : i32
      %dma_start3A_141 = tpu.memref_slice %arg12[%dma_start3A_140] : memref<100352xf32, #tpu.memory_space<vmem_shared>> -> memref<100352xf32, #tpu.memory_space<vmem_shared>>
      tpu.enqueue_indirect_dma source(%arg10 : memref<12800xf32, #tpu.memory_space<vmem>>) target(%dma_start3A_141 : memref<100352xf32, #tpu.memory_space<vmem_shared>>) offsets(%arg9 : memref<12800xi32, #tpu.memory_space<vmem>>) semaphore(%run_scoped3A : memref<!tpu.dma_semaphore, #tpu.memory_space<semaphore_mem>>) {add = true}
      %dma_wait3A_142 = arith.constant 0 : i32
      %dma_wait3A_143 = tpu.memref_slice %arg12[%dma_wait3A_142] : memref<100352xf32, #tpu.memory_space<vmem_shared>> -> memref<100352xf32, #tpu.memory_space<vmem_shared>>
      tpu.wait_indirect_dma semaphore(%run_scoped3A : memref<!tpu.dma_semaphore, #tpu.memory_space<semaphore_mem>>) src(%arg10 : memref<12800xf32, #tpu.memory_space<vmem>>) dst(%dma_wait3A_143 : memref<100352xf32, #tpu.memory_space<vmem_shared>>)
      tpu.yield
    }) : () -> ()
    %dma_wait3A_70 = tpu.memref_slice %arg4[%multiple_of3A_60] : memref<1600000xi32, #tpu.memory_space<hbm>> -> memref<12800xi32, #tpu.memory_space<hbm>>
    %dma_wait3A_71 = tpu.memref_slice %arg4[%multiple_of3A_60] : memref<1600000xi32, #tpu.memory_space<hbm>> -> memref<12800xi32, #tpu.memory_space<hbm>>
    tpu.wait_dma2 semaphore(%arg15 : memref<!tpu.dma_semaphore, #tpu.memory_space<semaphore_mem>>) src(%arg8 : memref<12800xi32, #tpu.memory_space<vmem>>) dst(%dma_wait3A_71 : memref<12800xi32, #tpu.memory_space<hbm>>)
    %dma_wait3A_72 = tpu.memref_slice %arg5[%multiple_of3A_67] : memref<1600000xi32, #tpu.memory_space<hbm>> -> memref<12800xi32, #tpu.memory_space<hbm>>
    %dma_wait3A_73 = tpu.memref_slice %arg5[%multiple_of3A_67] : memref<1600000xi32, #tpu.memory_space<hbm>> -> memref<12800xi32, #tpu.memory_space<hbm>>
    tpu.wait_dma2 semaphore(%arg15 : memref<!tpu.dma_semaphore, #tpu.memory_space<semaphore_mem>>) src(%arg9 : memref<12800xi32, #tpu.memory_space<vmem>>) dst(%dma_wait3A_73 : memref<12800xi32, #tpu.memory_space<hbm>>)
    %dma_wait3A_74 = arith.constant 0 : i32
    %dma_wait3A_75 = tpu.memref_slice %arg2[%dma_wait3A_74, %multiple_of3A_32] : memref<2x1600000xi32, #tpu.memory_space<hbm>> -> memref<2x12800xi32, #tpu.memory_space<hbm>>
    %dma_wait3A_76 = arith.constant 0 : i32
    %dma_wait3A_77 = tpu.memref_slice %arg2[%dma_wait3A_76, %multiple_of3A_32] : memref<2x1600000xi32, #tpu.memory_space<hbm>> -> memref<2x12800xi32, #tpu.memory_space<hbm>>
    tpu.wait_dma2 semaphore(%arg14 : memref<!tpu.dma_semaphore, #tpu.memory_space<semaphore_mem>>) src(%dma_wait3A_77 : memref<2x12800xi32, #tpu.memory_space<hbm>>) dst(%arg7 : memref<2x12800xi32, #tpu.memory_space<vmem>>)
    %scan3A_78 = arith.constant 0 : i32
    %scan3A_79 = arith.constant 0 : i32
    %scan3A_80 = arith.constant 800 : i32
    %scan3A_81 = arith.addi %scan3A_79, %scan3A_80 : i32
    %scan3A_82 = arith.constant 1 : i32
    %scan3A_83 = scf.for %scan3A_140 = %scan3A_79 to %scan3A_81 step %scan3A_82 iter_args(%scan3A_141 = %scan3A_78) -> (i32)  : i32 {
      %mul3A_142 = arith.constant 16 : i32
      %mul3A_143 = arith.muli %scan3A_140, %mul3A_142 : i32
      %multiple_of3A_144 = tpu.assume_multiple %mul3A_143, 16 : i32
      %get3A = arith.constant 0 : i32
      %get3A_145 = arith.index_cast %get3A : i32 to index
      %get3A_146 = arith.index_cast %multiple_of3A_144 : i32 to index
      %get3A_147 = tpu.vector_load %arg7[%get3A_145, %get3A_146] {strides = array<i32>} : memref<2x12800xi32, #tpu.memory_space<vmem>>, vector<1x16xi32>,
      %get3A_148 = vector.shape_cast %get3A_147 : vector<1x16xi32> to vector<16xi32>
      %swap3A = arith.index_cast %multiple_of3A_144 : i32 to index
      %swap3A_149 = tpu.vector_load %arg8[%swap3A] {strides = array<i32>} : memref<12800xi32, #tpu.memory_space<vmem>>, vector<16xi32>,
      %swap3A_150 = vector.shape_cast %swap3A_149 : vector<16xi32> to vector<16xi32>
      %swap3A_151 = vector.shape_cast %get3A_148 : vector<16xi32> to vector<16xi32>
      tpu.vector_store %arg8[%swap3A], %swap3A_151 {strides = array<i32>} : memref<12800xi32, #tpu.memory_space<vmem>>, vector<16xi32>,
      %get3A_152 = arith.constant 1 : i32
      %get3A_153 = arith.index_cast %get3A_152 : i32 to index
      %get3A_154 = arith.index_cast %multiple_of3A_144 : i32 to index
      %get3A_155 = tpu.vector_load %arg7[%get3A_153, %get3A_154] {strides = array<i32>} : memref<2x12800xi32, #tpu.memory_space<vmem>>, vector<1x16xi32>,
      %get3A_156 = vector.shape_cast %get3A_155 : vector<1x16xi32> to vector<16xi32>
      %swap3A_157 = arith.index_cast %multiple_of3A_144 : i32 to index
      %swap3A_158 = tpu.vector_load %arg9[%swap3A_157] {strides = array<i32>} : memref<12800xi32, #tpu.memory_space<vmem>>, vector<16xi32>,
      %swap3A_159 = vector.shape_cast %swap3A_158 : vector<16xi32> to vector<16xi32>
      %swap3A_160 = vector.shape_cast %get3A_156 : vector<16xi32> to vector<16xi32>
      tpu.vector_store %arg9[%swap3A_157], %swap3A_160 {strides = array<i32>} : memref<12800xi32, #tpu.memory_space<vmem>>, vector<16xi32>,
      %scan3A_161 = arith.constant 0 : i32
      scf.yield %scan3A_161 : i32
    }
    %scan3A_84 = arith.constant 800 : i32
    %eq3A = arith.constant 4 : i32
    %eq3A_85 = arith.cmpi eq, %add3A_19, %eq3A : i32
    %convert_element_type3A = arith.extui %eq3A_85 : i1 to i32
    %cond3A = arith.constant 0 : i32
    %cond3A_86 = arith.cmpi ne, %convert_element_type3A, %cond3A : i32
    scf.if %cond3A_86 {
      %add3A_140 = arith.constant 96 : i32
      %add3A_141 = arith.addi %add3A, %add3A_140 : i32
      %mul3A_142 = arith.constant 12800 : i32
      %mul3A_143 = arith.muli %add3A_141, %mul3A_142 : i32
      %multiple_of3A_144 = tpu.assume_multiple %mul3A_143, 512 : i32
      %dma_start3A_145 = arith.constant 0 : i32
      %dma_start3A_146 = tpu.memref_slice %arg2[%dma_start3A_145, %multiple_of3A_144] : memref<2x1600000xi32, #tpu.memory_space<hbm>> -> memref<2x12800xi32, #tpu.memory_space<hbm>>
      %dma_start3A_147 = arith.constant 0 : i32
      %dma_start3A_148 = tpu.memref_slice %arg2[%dma_start3A_147, %multiple_of3A_144] : memref<2x1600000xi32, #tpu.memory_space<hbm>> -> memref<2x12800xi32, #tpu.memory_space<hbm>>
      tpu.enqueue_dma source(%dma_start3A_148 : memref<2x12800xi32, #tpu.memory_space<hbm>>) target(%arg7 : memref<2x12800xi32, #tpu.memory_space<vmem>>) target_semaphore(%arg14 : memref<!tpu.dma_semaphore, #tpu.memory_space<semaphore_mem>>)
    } else {
    }
    %add3A_87 = arith.constant 32 : i32
    %add3A_88 = arith.addi %add3A, %add3A_87 : i32
    %mul3A_89 = arith.constant 12800 : i32
    %mul3A_90 = arith.muli %add3A_88, %mul3A_89 : i32
    %multiple_of3A_91 = tpu.assume_multiple %mul3A_90, 512 : i32
    %dma_start3A_92 = tpu.memref_slice %arg4[%multiple_of3A_91] : memref<1600000xi32, #tpu.memory_space<hbm>> -> memref<12800xi32, #tpu.memory_space<hbm>>
    %dma_start3A_93 = tpu.memref_slice %arg4[%multiple_of3A_91] : memref<1600000xi32, #tpu.memory_space<hbm>> -> memref<12800xi32, #tpu.memory_space<hbm>>
    tpu.enqueue_dma source(%arg8 : memref<12800xi32, #tpu.memory_space<vmem>>) target(%dma_start3A_93 : memref<12800xi32, #tpu.memory_space<hbm>>) target_semaphore(%arg15 : memref<!tpu.dma_semaphore, #tpu.memory_space<semaphore_mem>>)
    %add3A_94 = arith.constant 32 : i32
    %add3A_95 = arith.addi %add3A, %add3A_94 : i32
    %mul3A_96 = arith.constant 12800 : i32
    %mul3A_97 = arith.muli %add3A_95, %mul3A_96 : i32
    %multiple_of3A_98 = tpu.assume_multiple %mul3A_97, 512 : i32
    %dma_start3A_99 = tpu.memref_slice %arg5[%multiple_of3A_98] : memref<1600000xi32, #tpu.memory_space<hbm>> -> memref<12800xi32, #tpu.memory_space<hbm>>
    %dma_start3A_100 = tpu.memref_slice %arg5[%multiple_of3A_98] : memref<1600000xi32, #tpu.memory_space<hbm>> -> memref<12800xi32, #tpu.memory_space<hbm>>
    tpu.enqueue_dma source(%arg9 : memref<12800xi32, #tpu.memory_space<vmem>>) target(%dma_start3A_100 : memref<12800xi32, #tpu.memory_space<hbm>>) target_semaphore(%arg15 : memref<!tpu.dma_semaphore, #tpu.memory_space<semaphore_mem>>)
    "tpu.region"() ({
      %run_scoped3A = tpu.sem_alloc : memref<!tpu.dma_semaphore, #tpu.memory_space<semaphore_mem>>
      %dma_start3A_140 = arith.constant 0 : i32
      %dma_start3A_141 = tpu.memref_slice %arg12[%dma_start3A_140] : memref<100352xf32, #tpu.memory_space<vmem_shared>> -> memref<100352xf32, #tpu.memory_space<vmem_shared>>
      tpu.enqueue_indirect_dma source(%arg10 : memref<12800xf32, #tpu.memory_space<vmem>>) target(%dma_start3A_141 : memref<100352xf32, #tpu.memory_space<vmem_shared>>) offsets(%arg9 : memref<12800xi32, #tpu.memory_space<vmem>>) semaphore(%run_scoped3A : memref<!tpu.dma_semaphore, #tpu.memory_space<semaphore_mem>>) {add = true}
      %dma_wait3A_142 = arith.constant 0 : i32
      %dma_wait3A_143 = tpu.memref_slice %arg12[%dma_wait3A_142] : memref<100352xf32, #tpu.memory_space<vmem_shared>> -> memref<100352xf32, #tpu.memory_space<vmem_shared>>
      tpu.wait_indirect_dma semaphore(%run_scoped3A : memref<!tpu.dma_semaphore, #tpu.memory_space<semaphore_mem>>) src(%arg10 : memref<12800xf32, #tpu.memory_space<vmem>>) dst(%dma_wait3A_143 : memref<100352xf32, #tpu.memory_space<vmem_shared>>)
      tpu.yield
    }) : () -> ()
    %dma_wait3A_101 = tpu.memref_slice %arg4[%multiple_of3A_91] : memref<1600000xi32, #tpu.memory_space<hbm>> -> memref<12800xi32, #tpu.memory_space<hbm>>
    %dma_wait3A_102 = tpu.memref_slice %arg4[%multiple_of3A_91] : memref<1600000xi32, #tpu.memory_space<hbm>> -> memref<12800xi32, #tpu.memory_space<hbm>>
    tpu.wait_dma2 semaphore(%arg15 : memref<!tpu.dma_semaphore, #tpu.memory_space<semaphore_mem>>) src(%arg8 : memref<12800xi32, #tpu.memory_space<vmem>>) dst(%dma_wait3A_102 : memref<12800xi32, #tpu.memory_space<hbm>>)
    %dma_wait3A_103 = tpu.memref_slice %arg5[%multiple_of3A_98] : memref<1600000xi32, #tpu.memory_space<hbm>> -> memref<12800xi32, #tpu.memory_space<hbm>>
    %dma_wait3A_104 = tpu.memref_slice %arg5[%multiple_of3A_98] : memref<1600000xi32, #tpu.memory_space<hbm>> -> memref<12800xi32, #tpu.memory_space<hbm>>
    tpu.wait_dma2 semaphore(%arg15 : memref<!tpu.dma_semaphore, #tpu.memory_space<semaphore_mem>>) src(%arg9 : memref<12800xi32, #tpu.memory_space<vmem>>) dst(%dma_wait3A_104 : memref<12800xi32, #tpu.memory_space<hbm>>)
    %dma_wait3A_105 = arith.constant 0 : i32
    %dma_wait3A_106 = tpu.memref_slice %arg2[%dma_wait3A_105, %multiple_of3A_51] : memref<2x1600000xi32, #tpu.memory_space<hbm>> -> memref<2x12800xi32, #tpu.memory_space<hbm>>
    %dma_wait3A_107 = arith.constant 0 : i32
    %dma_wait3A_108 = tpu.memref_slice %arg2[%dma_wait3A_107, %multiple_of3A_51] : memref<2x1600000xi32, #tpu.memory_space<hbm>> -> memref<2x12800xi32, #tpu.memory_space<hbm>>
    tpu.wait_dma2 semaphore(%arg13 : memref<!tpu.dma_semaphore, #tpu.memory_space<semaphore_mem>>) src(%dma_wait3A_108 : memref<2x12800xi32, #tpu.memory_space<hbm>>) dst(%arg6 : memref<2x12800xi32, #tpu.memory_space<vmem>>)
    %scan3A_109 = arith.constant 0 : i32
    %scan3A_110 = arith.constant 0 : i32
    %scan3A_111 = arith.constant 800 : i32
    %scan3A_112 = arith.addi %scan3A_110, %scan3A_111 : i32
    %scan3A_113 = arith.constant 1 : i32
    %scan3A_114 = scf.for %scan3A_140 = %scan3A_110 to %scan3A_112 step %scan3A_113 iter_args(%scan3A_141 = %scan3A_109) -> (i32)  : i32 {
      %mul3A_142 = arith.constant 16 : i32
      %mul3A_143 = arith.muli %scan3A_140, %mul3A_142 : i32
      %multiple_of3A_144 = tpu.assume_multiple %mul3A_143, 16 : i32
      %get3A = arith.constant 0 : i32
      %get3A_145 = arith.index_cast %get3A : i32 to index
      %get3A_146 = arith.index_cast %multiple_of3A_144 : i32 to index
      %get3A_147 = tpu.vector_load %arg6[%get3A_145, %get3A_146] {strides = array<i32>} : memref<2x12800xi32, #tpu.memory_space<vmem>>, vector<1x16xi32>,
      %get3A_148 = vector.shape_cast %get3A_147 : vector<1x16xi32> to vector<16xi32>
      %swap3A = arith.index_cast %multiple_of3A_144 : i32 to index
      %swap3A_149 = tpu.vector_load %arg8[%swap3A] {strides = array<i32>} : memref<12800xi32, #tpu.memory_space<vmem>>, vector<16xi32>,
      %swap3A_150 = vector.shape_cast %swap3A_149 : vector<16xi32> to vector<16xi32>
      %swap3A_151 = vector.shape_cast %get3A_148 : vector<16xi32> to vector<16xi32>
      tpu.vector_store %arg8[%swap3A], %swap3A_151 {strides = array<i32>} : memref<12800xi32, #tpu.memory_space<vmem>>, vector<16xi32>,
      %get3A_152 = arith.constant 1 : i32
      %get3A_153 = arith.index_cast %get3A_152 : i32 to index
      %get3A_154 = arith.index_cast %multiple_of3A_144 : i32 to index
      %get3A_155 = tpu.vector_load %arg6[%get3A_153, %get3A_154] {strides = array<i32>} : memref<2x12800xi32, #tpu.memory_space<vmem>>, vector<1x16xi32>,
      %get3A_156 = vector.shape_cast %get3A_155 : vector<1x16xi32> to vector<16xi32>
      %swap3A_157 = arith.index_cast %multiple_of3A_144 : i32 to index
      %swap3A_158 = tpu.vector_load %arg9[%swap3A_157] {strides = array<i32>} : memref<12800xi32, #tpu.memory_space<vmem>>, vector<16xi32>,
      %swap3A_159 = vector.shape_cast %swap3A_158 : vector<16xi32> to vector<16xi32>
      %swap3A_160 = vector.shape_cast %get3A_156 : vector<16xi32> to vector<16xi32>
      tpu.vector_store %arg9[%swap3A_157], %swap3A_160 {strides = array<i32>} : memref<12800xi32, #tpu.memory_space<vmem>>, vector<16xi32>,
      %scan3A_161 = arith.constant 0 : i32
      scf.yield %scan3A_161 : i32
    }
    %scan3A_115 = arith.constant 800 : i32
    %add3A_116 = arith.constant 64 : i32
    %add3A_117 = arith.addi %add3A, %add3A_116 : i32
    %mul3A_118 = arith.constant 12800 : i32
    %mul3A_119 = arith.muli %add3A_117, %mul3A_118 : i32
    %multiple_of3A_120 = tpu.assume_multiple %mul3A_119, 512 : i32
    %dma_start3A_121 = tpu.memref_slice %arg4[%multiple_of3A_120] : memref<1600000xi32, #tpu.memory_space<hbm>> -> memref<12800xi32, #tpu.memory_space<hbm>>
    %dma_start3A_122 = tpu.memref_slice %arg4[%multiple_of3A_120] : memref<1600000xi32, #tpu.memory_space<hbm>> -> memref<12800xi32, #tpu.memory_space<hbm>>
    tpu.enqueue_dma source(%arg8 : memref<12800xi32, #tpu.memory_space<vmem>>) target(%dma_start3A_122 : memref<12800xi32, #tpu.memory_space<hbm>>) target_semaphore(%arg15 : memref<!tpu.dma_semaphore, #tpu.memory_space<semaphore_mem>>)
    %add3A_123 = arith.constant 64 : i32
    %add3A_124 = arith.addi %add3A, %add3A_123 : i32
    %mul3A_125 = arith.constant 12800 : i32
    %mul3A_126 = arith.muli %add3A_124, %mul3A_125 : i32
    %multiple_of3A_127 = tpu.assume_multiple %mul3A_126, 512 : i32
    %dma_start3A_128 = tpu.memref_slice %arg5[%multiple_of3A_127] : memref<1600000xi32, #tpu.memory_space<hbm>> -> memref<12800xi32, #tpu.memory_space<hbm>>
    %dma_start3A_129 = tpu.memref_slice %arg5[%multiple_of3A_127] : memref<1600000xi32, #tpu.memory_space<hbm>> -> memref<12800xi32, #tpu.memory_space<hbm>>
    tpu.enqueue_dma source(%arg9 : memref<12800xi32, #tpu.memory_space<vmem>>) target(%dma_start3A_129 : memref<12800xi32, #tpu.memory_space<hbm>>) target_semaphore(%arg15 : memref<!tpu.dma_semaphore, #tpu.memory_space<semaphore_mem>>)
    "tpu.region"() ({
      %run_scoped3A = tpu.sem_alloc : memref<!tpu.dma_semaphore, #tpu.memory_space<semaphore_mem>>
      %dma_start3A_140 = arith.constant 0 : i32
      %dma_start3A_141 = tpu.memref_slice %arg12[%dma_start3A_140] : memref<100352xf32, #tpu.memory_space<vmem_shared>> -> memref<100352xf32, #tpu.memory_space<vmem_shared>>
      tpu.enqueue_indirect_dma source(%arg10 : memref<12800xf32, #tpu.memory_space<vmem>>) target(%dma_start3A_141 : memref<100352xf32, #tpu.memory_space<vmem_shared>>) offsets(%arg9 : memref<12800xi32, #tpu.memory_space<vmem>>) semaphore(%run_scoped3A : memref<!tpu.dma_semaphore, #tpu.memory_space<semaphore_mem>>) {add = true}
      %dma_wait3A_142 = arith.constant 0 : i32
      %dma_wait3A_143 = tpu.memref_slice %arg12[%dma_wait3A_142] : memref<100352xf32, #tpu.memory_space<vmem_shared>> -> memref<100352xf32, #tpu.memory_space<vmem_shared>>
      tpu.wait_indirect_dma semaphore(%run_scoped3A : memref<!tpu.dma_semaphore, #tpu.memory_space<semaphore_mem>>) src(%arg10 : memref<12800xf32, #tpu.memory_space<vmem>>) dst(%dma_wait3A_143 : memref<100352xf32, #tpu.memory_space<vmem_shared>>)
      tpu.yield
    }) : () -> ()
    %dma_wait3A_130 = tpu.memref_slice %arg4[%multiple_of3A_120] : memref<1600000xi32, #tpu.memory_space<hbm>> -> memref<12800xi32, #tpu.memory_space<hbm>>
    %dma_wait3A_131 = tpu.memref_slice %arg4[%multiple_of3A_120] : memref<1600000xi32, #tpu.memory_space<hbm>> -> memref<12800xi32, #tpu.memory_space<hbm>>
    tpu.wait_dma2 semaphore(%arg15 : memref<!tpu.dma_semaphore, #tpu.memory_space<semaphore_mem>>) src(%arg8 : memref<12800xi32, #tpu.memory_space<vmem>>) dst(%dma_wait3A_131 : memref<12800xi32, #tpu.memory_space<hbm>>)
    %dma_wait3A_132 = tpu.memref_slice %arg5[%multiple_of3A_127] : memref<1600000xi32, #tpu.memory_space<hbm>> -> memref<12800xi32, #tpu.memory_space<hbm>>
    %dma_wait3A_133 = tpu.memref_slice %arg5[%multiple_of3A_127] : memref<1600000xi32, #tpu.memory_space<hbm>> -> memref<12800xi32, #tpu.memory_space<hbm>>
    tpu.wait_dma2 semaphore(%arg15 : memref<!tpu.dma_semaphore, #tpu.memory_space<semaphore_mem>>) src(%arg9 : memref<12800xi32, #tpu.memory_space<vmem>>) dst(%dma_wait3A_133 : memref<12800xi32, #tpu.memory_space<hbm>>)
    %eq3A_134 = arith.constant 4 : i32
    %eq3A_135 = arith.cmpi eq, %add3A_19, %eq3A_134 : i32
    %convert_element_type3A_136 = arith.extui %eq3A_135 : i1 to i32
    %cond3A_137 = arith.constant 0 : i32
    %cond3A_138 = arith.cmpi ne, %convert_element_type3A_136, %cond3A_137 : i32
    scf.if %cond3A_138 {
      %add3A_140 = arith.constant 96 : i32
      %add3A_141 = arith.addi %add3A, %add3A_140 : i32
      %mul3A_142 = arith.constant 12800 : i32
      %mul3A_143 = arith.muli %add3A_141, %mul3A_142 : i32
      %multiple_of3A_144 = tpu.assume_multiple %mul3A_143, 512 : i32
      %dma_wait3A_145 = arith.constant 0 : i32
      %dma_wait3A_146 = tpu.memref_slice %arg2[%dma_wait3A_145, %multiple_of3A_144] : memref<2x1600000xi32, #tpu.memory_space<hbm>> -> memref<2x12800xi32, #tpu.memory_space<hbm>>
      %dma_wait3A_147 = arith.constant 0 : i32
      %dma_wait3A_148 = tpu.memref_slice %arg2[%dma_wait3A_147, %multiple_of3A_144] : memref<2x1600000xi32, #tpu.memory_space<hbm>> -> memref<2x12800xi32, #tpu.memory_space<hbm>>
      tpu.wait_dma2 semaphore(%arg14 : memref<!tpu.dma_semaphore, #tpu.memory_space<semaphore_mem>>) src(%dma_wait3A_148 : memref<2x12800xi32, #tpu.memory_space<hbm>>) dst(%arg7 : memref<2x12800xi32, #tpu.memory_space<vmem>>)
      %scan3A_149 = arith.constant 0 : i32
      %scan3A_150 = arith.constant 0 : i32
      %scan3A_151 = arith.constant 800 : i32
      %scan3A_152 = arith.addi %scan3A_150, %scan3A_151 : i32
      %scan3A_153 = arith.constant 1 : i32
      %scan3A_154 = scf.for %scan3A_174 = %scan3A_150 to %scan3A_152 step %scan3A_153 iter_args(%scan3A_175 = %scan3A_149) -> (i32)  : i32 {
        %mul3A_176 = arith.constant 16 : i32
        %mul3A_177 = arith.muli %scan3A_174, %mul3A_176 : i32
        %multiple_of3A_178 = tpu.assume_multiple %mul3A_177, 16 : i32
        %get3A = arith.constant 0 : i32
        %get3A_179 = arith.index_cast %get3A : i32 to index
        %get3A_180 = arith.index_cast %multiple_of3A_178 : i32 to index
        %get3A_181 = tpu.vector_load %arg7[%get3A_179, %get3A_180] {strides = array<i32>} : memref<2x12800xi32, #tpu.memory_space<vmem>>, vector<1x16xi32>,
        %get3A_182 = vector.shape_cast %get3A_181 : vector<1x16xi32> to vector<16xi32>
        %swap3A = arith.index_cast %multiple_of3A_178 : i32 to index
        %swap3A_183 = tpu.vector_load %arg8[%swap3A] {strides = array<i32>} : memref<12800xi32, #tpu.memory_space<vmem>>, vector<16xi32>,
        %swap3A_184 = vector.shape_cast %swap3A_183 : vector<16xi32> to vector<16xi32>
        %swap3A_185 = vector.shape_cast %get3A_182 : vector<16xi32> to vector<16xi32>
        tpu.vector_store %arg8[%swap3A], %swap3A_185 {strides = array<i32>} : memref<12800xi32, #tpu.memory_space<vmem>>, vector<16xi32>,
        %get3A_186 = arith.constant 1 : i32
        %get3A_187 = arith.index_cast %get3A_186 : i32 to index
        %get3A_188 = arith.index_cast %multiple_of3A_178 : i32 to index
        %get3A_189 = tpu.vector_load %arg7[%get3A_187, %get3A_188] {strides = array<i32>} : memref<2x12800xi32, #tpu.memory_space<vmem>>, vector<1x16xi32>,
        %get3A_190 = vector.shape_cast %get3A_189 : vector<1x16xi32> to vector<16xi32>
        %swap3A_191 = arith.index_cast %multiple_of3A_178 : i32 to index
        %swap3A_192 = tpu.vector_load %arg9[%swap3A_191] {strides = array<i32>} : memref<12800xi32, #tpu.memory_space<vmem>>, vector<16xi32>,
        %swap3A_193 = vector.shape_cast %swap3A_192 : vector<16xi32> to vector<16xi32>
        %swap3A_194 = vector.shape_cast %get3A_190 : vector<16xi32> to vector<16xi32>
        tpu.vector_store %arg9[%swap3A_191], %swap3A_194 {strides = array<i32>} : memref<12800xi32, #tpu.memory_space<vmem>>, vector<16xi32>,
        %scan3A_195 = arith.constant 0 : i32
        scf.yield %scan3A_195 : i32
      }
      %scan3A_155 = arith.constant 800 : i32
      %add3A_156 = arith.constant 96 : i32
      %add3A_157 = arith.addi %add3A, %add3A_156 : i32
      %mul3A_158 = arith.constant 12800 : i32
      %mul3A_159 = arith.muli %add3A_157, %mul3A_158 : i32
      %multiple_of3A_160 = tpu.assume_multiple %mul3A_159, 512 : i32
      %dma_start3A_161 = tpu.memref_slice %arg4[%multiple_of3A_160] : memref<1600000xi32, #tpu.memory_space<hbm>> -> memref<12800xi32, #tpu.memory_space<hbm>>
      %dma_start3A_162 = tpu.memref_slice %arg4[%multiple_of3A_160] : memref<1600000xi32, #tpu.memory_space<hbm>> -> memref<12800xi32, #tpu.memory_space<hbm>>
      tpu.enqueue_dma source(%arg8 : memref<12800xi32, #tpu.memory_space<vmem>>) target(%dma_start3A_162 : memref<12800xi32, #tpu.memory_space<hbm>>) target_semaphore(%arg15 : memref<!tpu.dma_semaphore, #tpu.memory_space<semaphore_mem>>)
      %add3A_163 = arith.constant 96 : i32
      %add3A_164 = arith.addi %add3A, %add3A_163 : i32
      %mul3A_165 = arith.constant 12800 : i32
      %mul3A_166 = arith.muli %add3A_164, %mul3A_165 : i32
      %multiple_of3A_167 = tpu.assume_multiple %mul3A_166, 512 : i32
      %dma_start3A_168 = tpu.memref_slice %arg5[%multiple_of3A_167] : memref<1600000xi32, #tpu.memory_space<hbm>> -> memref<12800xi32, #tpu.memory_space<hbm>>
      %dma_start3A_169 = tpu.memref_slice %arg5[%multiple_of3A_167] : memref<1600000xi32, #tpu.memory_space<hbm>> -> memref<12800xi32, #tpu.memory_space<hbm>>
      tpu.enqueue_dma source(%arg9 : memref<12800xi32, #tpu.memory_space<vmem>>) target(%dma_start3A_169 : memref<12800xi32, #tpu.memory_space<hbm>>) target_semaphore(%arg15 : memref<!tpu.dma_semaphore, #tpu.memory_space<semaphore_mem>>)
      "tpu.region"() ({
        %run_scoped3A = tpu.sem_alloc : memref<!tpu.dma_semaphore, #tpu.memory_space<semaphore_mem>>
        %dma_start3A_174 = arith.constant 0 : i32
        %dma_start3A_175 = tpu.memref_slice %arg12[%dma_start3A_174] : memref<100352xf32, #tpu.memory_space<vmem_shared>> -> memref<100352xf32, #tpu.memory_space<vmem_shared>>
        tpu.enqueue_indirect_dma source(%arg10 : memref<12800xf32, #tpu.memory_space<vmem>>) target(%dma_start3A_175 : memref<100352xf32, #tpu.memory_space<vmem_shared>>) offsets(%arg9 : memref<12800xi32, #tpu.memory_space<vmem>>) semaphore(%run_scoped3A : memref<!tpu.dma_semaphore, #tpu.memory_space<semaphore_mem>>) {add = true}
        %dma_wait3A_176 = arith.constant 0 : i32
        %dma_wait3A_177 = tpu.memref_slice %arg12[%dma_wait3A_176] : memref<100352xf32, #tpu.memory_space<vmem_shared>> -> memref<100352xf32, #tpu.memory_space<vmem_shared>>
        tpu.wait_indirect_dma semaphore(%run_scoped3A : memref<!tpu.dma_semaphore, #tpu.memory_space<semaphore_mem>>) src(%arg10 : memref<12800xf32, #tpu.memory_space<vmem>>) dst(%dma_wait3A_177 : memref<100352xf32, #tpu.memory_space<vmem_shared>>)
        tpu.yield
      }) : () -> ()
      %dma_wait3A_170 = tpu.memref_slice %arg4[%multiple_of3A_160] : memref<1600000xi32, #tpu.memory_space<hbm>> -> memref<12800xi32, #tpu.memory_space<hbm>>
      %dma_wait3A_171 = tpu.memref_slice %arg4[%multiple_of3A_160] : memref<1600000xi32, #tpu.memory_space<hbm>> -> memref<12800xi32, #tpu.memory_space<hbm>>
      tpu.wait_dma2 semaphore(%arg15 : memref<!tpu.dma_semaphore, #tpu.memory_space<semaphore_mem>>) src(%arg8 : memref<12800xi32, #tpu.memory_space<vmem>>) dst(%dma_wait3A_171 : memref<12800xi32, #tpu.memory_space<hbm>>)
      %dma_wait3A_172 = tpu.memref_slice %arg5[%multiple_of3A_167] : memref<1600000xi32, #tpu.memory_space<hbm>> -> memref<12800xi32, #tpu.memory_space<hbm>>
      %dma_wait3A_173 = tpu.memref_slice %arg5[%multiple_of3A_167] : memref<1600000xi32, #tpu.memory_space<hbm>> -> memref<12800xi32, #tpu.memory_space<hbm>>
      tpu.wait_dma2 semaphore(%arg15 : memref<!tpu.dma_semaphore, #tpu.memory_space<semaphore_mem>>) src(%arg9 : memref<12800xi32, #tpu.memory_space<vmem>>) dst(%dma_wait3A_173 : memref<12800xi32, #tpu.memory_space<hbm>>)
    } else {
    }
    %barrier3A_139 = arith.constant 0 : index
    tpu.barrier barrier_id(%barrier3A_139)
    "tpu.region"() ({
      %run_scoped3A = tpu.sem_alloc : memref<!tpu.dma_semaphore, #tpu.memory_space<semaphore_mem>>
      %dma_start3A_140 = tpu.memref_slice %arg12[%multiple_of3A] : memref<100352xf32, #tpu.memory_space<vmem_shared>> -> memref<6272xf32, #tpu.memory_space<vmem_shared>>
      %dma_start3A_141 = tpu.memref_slice %arg12[%multiple_of3A] : memref<100352xf32, #tpu.memory_space<vmem_shared>> -> memref<6272xf32, #tpu.memory_space<vmem_shared>>
      tpu.enqueue_dma source(%dma_start3A_141 : memref<6272xf32, #tpu.memory_space<vmem_shared>>) target(%arg11 : memref<6272xf32, #tpu.memory_space<vmem>>) target_semaphore(%run_scoped3A : memref<!tpu.dma_semaphore, #tpu.memory_space<semaphore_mem>>)
      %dma_wait3A_142 = tpu.memref_slice %arg12[%multiple_of3A] : memref<100352xf32, #tpu.memory_space<vmem_shared>> -> memref<6272xf32, #tpu.memory_space<vmem_shared>>
      %dma_wait3A_143 = tpu.memref_slice %arg12[%multiple_of3A] : memref<100352xf32, #tpu.memory_space<vmem_shared>> -> memref<6272xf32, #tpu.memory_space<vmem_shared>>
      tpu.wait_dma2 semaphore(%run_scoped3A : memref<!tpu.dma_semaphore, #tpu.memory_space<semaphore_mem>>) src(%dma_wait3A_143 : memref<6272xf32, #tpu.memory_space<vmem_shared>>) dst(%arg11 : memref<6272xf32, #tpu.memory_space<vmem>>)
      tpu.yield
    }) : () -> ()
    "tpu.region"() ({
      %run_scoped3A = tpu.sem_alloc : memref<!tpu.dma_semaphore, #tpu.memory_space<semaphore_mem>>
      %dma_start3A_140 = tpu.memref_slice %arg3[%arg0, %multiple_of3A] : memref<2x100352xf32, #tpu.memory_space<hbm>> -> memref<1x6272xf32, #tpu.memory_space<hbm>>
      %dma_start3A_141 = tpu.memref_squeeze %dma_start3A_140 : memref<1x6272xf32, #tpu.memory_space<hbm>> -> memref<6272xf32, #tpu.memory_space<hbm>>
      %dma_start3A_142 = tpu.memref_slice %arg3[%arg0, %multiple_of3A] : memref<2x100352xf32, #tpu.memory_space<hbm>> -> memref<1x6272xf32, #tpu.memory_space<hbm>>
      %dma_start3A_143 = tpu.memref_squeeze %dma_start3A_142 : memref<1x6272xf32, #tpu.memory_space<hbm>> -> memref<6272xf32, #tpu.memory_space<hbm>>
      tpu.enqueue_dma source(%arg11 : memref<6272xf32, #tpu.memory_space<vmem>>) target(%dma_start3A_143 : memref<6272xf32, #tpu.memory_space<hbm>>) target_semaphore(%run_scoped3A : memref<!tpu.dma_semaphore, #tpu.memory_space<semaphore_mem>>)
      %dma_wait3A_144 = tpu.memref_slice %arg3[%arg0, %multiple_of3A] : memref<2x100352xf32, #tpu.memory_space<hbm>> -> memref<1x6272xf32, #tpu.memory_space<hbm>>
      %dma_wait3A_145 = tpu.memref_squeeze %dma_wait3A_144 : memref<1x6272xf32, #tpu.memory_space<hbm>> -> memref<6272xf32, #tpu.memory_space<hbm>>
      %dma_wait3A_146 = tpu.memref_slice %arg3[%arg0, %multiple_of3A] : memref<2x100352xf32, #tpu.memory_space<hbm>> -> memref<1x6272xf32, #tpu.memory_space<hbm>>
      %dma_wait3A_147 = tpu.memref_squeeze %dma_wait3A_146 : memref<1x6272xf32, #tpu.memory_space<hbm>> -> memref<6272xf32, #tpu.memory_space<hbm>>
      tpu.wait_dma2 semaphore(%run_scoped3A : memref<!tpu.dma_semaphore, #tpu.memory_space<semaphore_mem>>) src(%arg11 : memref<6272xf32, #tpu.memory_space<vmem>>) dst(%dma_wait3A_147 : memref<6272xf32, #tpu.memory_space<hbm>>)
      tpu.yield
    }) : () -> ()
    return
  }
}

module attributes {stable_mosaic.version = 14 : i64} {
  func.func @_mlp_body(%arg0: memref<784x128xf32, #tpu.memory_space<vmem>>, %arg1: memref<784x128xf32, #tpu.memory_space<vmem>>, %arg2: memref<130xf32, #tpu.memory_space<smem>>, %arg3: memref<784x128xf32, #tpu.memory_space<vmem>>) attributes {dimension_semantics = [], scalar_prefetch = 0 : i64, scratch_operands = 0 : i64, tpu.core_type = #tpu.core_type<tc>} {
    %get3A = arith.constant 0 : index
    %get3A_0 = arith.constant 0 : index
    %get3A_1 = vector.load %arg0[%get3A, %get3A_0] : memref<784x128xf32, #tpu.memory_space<vmem>>, vector<784x128xf32>
    %get3A_2 = arith.constant 0 : index
    %get3A_3 = arith.constant 0 : index
    %get3A_4 = vector.load %arg1[%get3A_2, %get3A_3] : memref<784x128xf32, #tpu.memory_space<vmem>>, vector<784x128xf32>
    %get3A_5 = arith.constant 128 : index
    %get3A_6 = memref.load %arg2[%get3A_5] : memref<130xf32, #tpu.memory_space<smem>>
    %get3A_7 = arith.constant 129 : index
    %get3A_8 = memref.load %arg2[%get3A_7] : memref<130xf32, #tpu.memory_space<smem>>
    %broadcast_in_dim3A = vector.broadcast %get3A_8 : f32 to vector<784x128xf32>
    %get3A_9 = arith.constant 0 : index
    %get3A_10 = memref.load %arg2[%get3A_9] : memref<130xf32, #tpu.memory_space<smem>>
    %mul3A = vector.broadcast %get3A_10 : f32 to vector<784x128xf32>
    %mul3A_11 = arith.mulf %get3A_1, %mul3A : vector<784x128xf32>
    %get3A_12 = arith.constant 32 : index
    %get3A_13 = memref.load %arg2[%get3A_12] : memref<130xf32, #tpu.memory_space<smem>>
    %mul3A_14 = vector.broadcast %get3A_13 : f32 to vector<784x128xf32>
    %mul3A_15 = arith.mulf %get3A_4, %mul3A_14 : vector<784x128xf32>
    %add3A = arith.addf %mul3A_11, %mul3A_15 : vector<784x128xf32>
    %get3A_16 = arith.constant 64 : index
    %get3A_17 = memref.load %arg2[%get3A_16] : memref<130xf32, #tpu.memory_space<smem>>
    %add3A_18 = vector.broadcast %get3A_17 : f32 to vector<784x128xf32>
    %add3A_19 = arith.addf %add3A, %add3A_18 : vector<784x128xf32>
    %gt3A = arith.constant 0.000000e+00 : f32
    %gt3A_20 = vector.broadcast %gt3A : f32 to vector<784x128xf32>
    %gt3A_21 = arith.cmpf ogt, %add3A_19, %gt3A_20 : vector<784x128xf32>
    %mul3A_22 = vector.broadcast %get3A_6 : f32 to vector<784x128xf32>
    %mul3A_23 = arith.mulf %mul3A_22, %add3A_19 : vector<784x128xf32>
    %select_n3A = arith.select %gt3A_21, %add3A_19, %mul3A_23 : vector<784x128xi1>, vector<784x128xf32>
    %get3A_24 = arith.constant 96 : index
    %get3A_25 = memref.load %arg2[%get3A_24] : memref<130xf32, #tpu.memory_space<smem>>
    %mul3A_26 = vector.broadcast %get3A_25 : f32 to vector<784x128xf32>
    %mul3A_27 = arith.mulf %select_n3A, %mul3A_26 : vector<784x128xf32>
    %add3A_28 = arith.addf %broadcast_in_dim3A, %mul3A_27 : vector<784x128xf32>
    %get3A_29 = arith.constant 1 : index
    %get3A_30 = memref.load %arg2[%get3A_29] : memref<130xf32, #tpu.memory_space<smem>>
    %mul3A_31 = vector.broadcast %get3A_30 : f32 to vector<784x128xf32>
    %mul3A_32 = arith.mulf %get3A_1, %mul3A_31 : vector<784x128xf32>
    %get3A_33 = arith.constant 33 : index
    %get3A_34 = memref.load %arg2[%get3A_33] : memref<130xf32, #tpu.memory_space<smem>>
    %mul3A_35 = vector.broadcast %get3A_34 : f32 to vector<784x128xf32>
    %mul3A_36 = arith.mulf %get3A_4, %mul3A_35 : vector<784x128xf32>
    %add3A_37 = arith.addf %mul3A_32, %mul3A_36 : vector<784x128xf32>
    %get3A_38 = arith.constant 65 : index
    %get3A_39 = memref.load %arg2[%get3A_38] : memref<130xf32, #tpu.memory_space<smem>>
    %add3A_40 = vector.broadcast %get3A_39 : f32 to vector<784x128xf32>
    %add3A_41 = arith.addf %add3A_37, %add3A_40 : vector<784x128xf32>
    %gt3A_42 = arith.constant 0.000000e+00 : f32
    %gt3A_43 = vector.broadcast %gt3A_42 : f32 to vector<784x128xf32>
    %gt3A_44 = arith.cmpf ogt, %add3A_41, %gt3A_43 : vector<784x128xf32>
    %mul3A_45 = vector.broadcast %get3A_6 : f32 to vector<784x128xf32>
    %mul3A_46 = arith.mulf %mul3A_45, %add3A_41 : vector<784x128xf32>
    %select_n3A_47 = arith.select %gt3A_44, %add3A_41, %mul3A_46 : vector<784x128xi1>, vector<784x128xf32>
    %get3A_48 = arith.constant 97 : index
    %get3A_49 = memref.load %arg2[%get3A_48] : memref<130xf32, #tpu.memory_space<smem>>
    %mul3A_50 = vector.broadcast %get3A_49 : f32 to vector<784x128xf32>
    %mul3A_51 = arith.mulf %select_n3A_47, %mul3A_50 : vector<784x128xf32>
    %add3A_52 = arith.addf %add3A_28, %mul3A_51 : vector<784x128xf32>
    %get3A_53 = arith.constant 2 : index
    %get3A_54 = memref.load %arg2[%get3A_53] : memref<130xf32, #tpu.memory_space<smem>>
    %mul3A_55 = vector.broadcast %get3A_54 : f32 to vector<784x128xf32>
    %mul3A_56 = arith.mulf %get3A_1, %mul3A_55 : vector<784x128xf32>
    %get3A_57 = arith.constant 34 : index
    %get3A_58 = memref.load %arg2[%get3A_57] : memref<130xf32, #tpu.memory_space<smem>>
    %mul3A_59 = vector.broadcast %get3A_58 : f32 to vector<784x128xf32>
    %mul3A_60 = arith.mulf %get3A_4, %mul3A_59 : vector<784x128xf32>
    %add3A_61 = arith.addf %mul3A_56, %mul3A_60 : vector<784x128xf32>
    %get3A_62 = arith.constant 66 : index
    %get3A_63 = memref.load %arg2[%get3A_62] : memref<130xf32, #tpu.memory_space<smem>>
    %add3A_64 = vector.broadcast %get3A_63 : f32 to vector<784x128xf32>
    %add3A_65 = arith.addf %add3A_61, %add3A_64 : vector<784x128xf32>
    %gt3A_66 = arith.constant 0.000000e+00 : f32
    %gt3A_67 = vector.broadcast %gt3A_66 : f32 to vector<784x128xf32>
    %gt3A_68 = arith.cmpf ogt, %add3A_65, %gt3A_67 : vector<784x128xf32>
    %mul3A_69 = vector.broadcast %get3A_6 : f32 to vector<784x128xf32>
    %mul3A_70 = arith.mulf %mul3A_69, %add3A_65 : vector<784x128xf32>
    %select_n3A_71 = arith.select %gt3A_68, %add3A_65, %mul3A_70 : vector<784x128xi1>, vector<784x128xf32>
    %get3A_72 = arith.constant 98 : index
    %get3A_73 = memref.load %arg2[%get3A_72] : memref<130xf32, #tpu.memory_space<smem>>
    %mul3A_74 = vector.broadcast %get3A_73 : f32 to vector<784x128xf32>
    %mul3A_75 = arith.mulf %select_n3A_71, %mul3A_74 : vector<784x128xf32>
    %add3A_76 = arith.addf %add3A_52, %mul3A_75 : vector<784x128xf32>
    %get3A_77 = arith.constant 3 : index
    %get3A_78 = memref.load %arg2[%get3A_77] : memref<130xf32, #tpu.memory_space<smem>>
    %mul3A_79 = vector.broadcast %get3A_78 : f32 to vector<784x128xf32>
    %mul3A_80 = arith.mulf %get3A_1, %mul3A_79 : vector<784x128xf32>
    %get3A_81 = arith.constant 35 : index
    %get3A_82 = memref.load %arg2[%get3A_81] : memref<130xf32, #tpu.memory_space<smem>>
    %mul3A_83 = vector.broadcast %get3A_82 : f32 to vector<784x128xf32>
    %mul3A_84 = arith.mulf %get3A_4, %mul3A_83 : vector<784x128xf32>
    %add3A_85 = arith.addf %mul3A_80, %mul3A_84 : vector<784x128xf32>
    %get3A_86 = arith.constant 67 : index
    %get3A_87 = memref.load %arg2[%get3A_86] : memref<130xf32, #tpu.memory_space<smem>>
    %add3A_88 = vector.broadcast %get3A_87 : f32 to vector<784x128xf32>
    %add3A_89 = arith.addf %add3A_85, %add3A_88 : vector<784x128xf32>
    %gt3A_90 = arith.constant 0.000000e+00 : f32
    %gt3A_91 = vector.broadcast %gt3A_90 : f32 to vector<784x128xf32>
    %gt3A_92 = arith.cmpf ogt, %add3A_89, %gt3A_91 : vector<784x128xf32>
    %mul3A_93 = vector.broadcast %get3A_6 : f32 to vector<784x128xf32>
    %mul3A_94 = arith.mulf %mul3A_93, %add3A_89 : vector<784x128xf32>
    %select_n3A_95 = arith.select %gt3A_92, %add3A_89, %mul3A_94 : vector<784x128xi1>, vector<784x128xf32>
    %get3A_96 = arith.constant 99 : index
    %get3A_97 = memref.load %arg2[%get3A_96] : memref<130xf32, #tpu.memory_space<smem>>
    %mul3A_98 = vector.broadcast %get3A_97 : f32 to vector<784x128xf32>
    %mul3A_99 = arith.mulf %select_n3A_95, %mul3A_98 : vector<784x128xf32>
    %add3A_100 = arith.addf %add3A_76, %mul3A_99 : vector<784x128xf32>
    %get3A_101 = arith.constant 4 : index
    %get3A_102 = memref.load %arg2[%get3A_101] : memref<130xf32, #tpu.memory_space<smem>>
    %mul3A_103 = vector.broadcast %get3A_102 : f32 to vector<784x128xf32>
    %mul3A_104 = arith.mulf %get3A_1, %mul3A_103 : vector<784x128xf32>
    %get3A_105 = arith.constant 36 : index
    %get3A_106 = memref.load %arg2[%get3A_105] : memref<130xf32, #tpu.memory_space<smem>>
    %mul3A_107 = vector.broadcast %get3A_106 : f32 to vector<784x128xf32>
    %mul3A_108 = arith.mulf %get3A_4, %mul3A_107 : vector<784x128xf32>
    %add3A_109 = arith.addf %mul3A_104, %mul3A_108 : vector<784x128xf32>
    %get3A_110 = arith.constant 68 : index
    %get3A_111 = memref.load %arg2[%get3A_110] : memref<130xf32, #tpu.memory_space<smem>>
    %add3A_112 = vector.broadcast %get3A_111 : f32 to vector<784x128xf32>
    %add3A_113 = arith.addf %add3A_109, %add3A_112 : vector<784x128xf32>
    %gt3A_114 = arith.constant 0.000000e+00 : f32
    %gt3A_115 = vector.broadcast %gt3A_114 : f32 to vector<784x128xf32>
    %gt3A_116 = arith.cmpf ogt, %add3A_113, %gt3A_115 : vector<784x128xf32>
    %mul3A_117 = vector.broadcast %get3A_6 : f32 to vector<784x128xf32>
    %mul3A_118 = arith.mulf %mul3A_117, %add3A_113 : vector<784x128xf32>
    %select_n3A_119 = arith.select %gt3A_116, %add3A_113, %mul3A_118 : vector<784x128xi1>, vector<784x128xf32>
    %get3A_120 = arith.constant 100 : index
    %get3A_121 = memref.load %arg2[%get3A_120] : memref<130xf32, #tpu.memory_space<smem>>
    %mul3A_122 = vector.broadcast %get3A_121 : f32 to vector<784x128xf32>
    %mul3A_123 = arith.mulf %select_n3A_119, %mul3A_122 : vector<784x128xf32>
    %add3A_124 = arith.addf %add3A_100, %mul3A_123 : vector<784x128xf32>
    %get3A_125 = arith.constant 5 : index
    %get3A_126 = memref.load %arg2[%get3A_125] : memref<130xf32, #tpu.memory_space<smem>>
    %mul3A_127 = vector.broadcast %get3A_126 : f32 to vector<784x128xf32>
    %mul3A_128 = arith.mulf %get3A_1, %mul3A_127 : vector<784x128xf32>
    %get3A_129 = arith.constant 37 : index
    %get3A_130 = memref.load %arg2[%get3A_129] : memref<130xf32, #tpu.memory_space<smem>>
    %mul3A_131 = vector.broadcast %get3A_130 : f32 to vector<784x128xf32>
    %mul3A_132 = arith.mulf %get3A_4, %mul3A_131 : vector<784x128xf32>
    %add3A_133 = arith.addf %mul3A_128, %mul3A_132 : vector<784x128xf32>
    %get3A_134 = arith.constant 69 : index
    %get3A_135 = memref.load %arg2[%get3A_134] : memref<130xf32, #tpu.memory_space<smem>>
    %add3A_136 = vector.broadcast %get3A_135 : f32 to vector<784x128xf32>
    %add3A_137 = arith.addf %add3A_133, %add3A_136 : vector<784x128xf32>
    %gt3A_138 = arith.constant 0.000000e+00 : f32
    %gt3A_139 = vector.broadcast %gt3A_138 : f32 to vector<784x128xf32>
    %gt3A_140 = arith.cmpf ogt, %add3A_137, %gt3A_139 : vector<784x128xf32>
    %mul3A_141 = vector.broadcast %get3A_6 : f32 to vector<784x128xf32>
    %mul3A_142 = arith.mulf %mul3A_141, %add3A_137 : vector<784x128xf32>
    %select_n3A_143 = arith.select %gt3A_140, %add3A_137, %mul3A_142 : vector<784x128xi1>, vector<784x128xf32>
    %get3A_144 = arith.constant 101 : index
    %get3A_145 = memref.load %arg2[%get3A_144] : memref<130xf32, #tpu.memory_space<smem>>
    %mul3A_146 = vector.broadcast %get3A_145 : f32 to vector<784x128xf32>
    %mul3A_147 = arith.mulf %select_n3A_143, %mul3A_146 : vector<784x128xf32>
    %add3A_148 = arith.addf %add3A_124, %mul3A_147 : vector<784x128xf32>
    %get3A_149 = arith.constant 6 : index
    %get3A_150 = memref.load %arg2[%get3A_149] : memref<130xf32, #tpu.memory_space<smem>>
    %mul3A_151 = vector.broadcast %get3A_150 : f32 to vector<784x128xf32>
    %mul3A_152 = arith.mulf %get3A_1, %mul3A_151 : vector<784x128xf32>
    %get3A_153 = arith.constant 38 : index
    %get3A_154 = memref.load %arg2[%get3A_153] : memref<130xf32, #tpu.memory_space<smem>>
    %mul3A_155 = vector.broadcast %get3A_154 : f32 to vector<784x128xf32>
    %mul3A_156 = arith.mulf %get3A_4, %mul3A_155 : vector<784x128xf32>
    %add3A_157 = arith.addf %mul3A_152, %mul3A_156 : vector<784x128xf32>
    %get3A_158 = arith.constant 70 : index
    %get3A_159 = memref.load %arg2[%get3A_158] : memref<130xf32, #tpu.memory_space<smem>>
    %add3A_160 = vector.broadcast %get3A_159 : f32 to vector<784x128xf32>
    %add3A_161 = arith.addf %add3A_157, %add3A_160 : vector<784x128xf32>
    %gt3A_162 = arith.constant 0.000000e+00 : f32
    %gt3A_163 = vector.broadcast %gt3A_162 : f32 to vector<784x128xf32>
    %gt3A_164 = arith.cmpf ogt, %add3A_161, %gt3A_163 : vector<784x128xf32>
    %mul3A_165 = vector.broadcast %get3A_6 : f32 to vector<784x128xf32>
    %mul3A_166 = arith.mulf %mul3A_165, %add3A_161 : vector<784x128xf32>
    %select_n3A_167 = arith.select %gt3A_164, %add3A_161, %mul3A_166 : vector<784x128xi1>, vector<784x128xf32>
    %get3A_168 = arith.constant 102 : index
    %get3A_169 = memref.load %arg2[%get3A_168] : memref<130xf32, #tpu.memory_space<smem>>
    %mul3A_170 = vector.broadcast %get3A_169 : f32 to vector<784x128xf32>
    %mul3A_171 = arith.mulf %select_n3A_167, %mul3A_170 : vector<784x128xf32>
    %add3A_172 = arith.addf %add3A_148, %mul3A_171 : vector<784x128xf32>
    %get3A_173 = arith.constant 7 : index
    %get3A_174 = memref.load %arg2[%get3A_173] : memref<130xf32, #tpu.memory_space<smem>>
    %mul3A_175 = vector.broadcast %get3A_174 : f32 to vector<784x128xf32>
    %mul3A_176 = arith.mulf %get3A_1, %mul3A_175 : vector<784x128xf32>
    %get3A_177 = arith.constant 39 : index
    %get3A_178 = memref.load %arg2[%get3A_177] : memref<130xf32, #tpu.memory_space<smem>>
    %mul3A_179 = vector.broadcast %get3A_178 : f32 to vector<784x128xf32>
    %mul3A_180 = arith.mulf %get3A_4, %mul3A_179 : vector<784x128xf32>
    %add3A_181 = arith.addf %mul3A_176, %mul3A_180 : vector<784x128xf32>
    %get3A_182 = arith.constant 71 : index
    %get3A_183 = memref.load %arg2[%get3A_182] : memref<130xf32, #tpu.memory_space<smem>>
    %add3A_184 = vector.broadcast %get3A_183 : f32 to vector<784x128xf32>
    %add3A_185 = arith.addf %add3A_181, %add3A_184 : vector<784x128xf32>
    %gt3A_186 = arith.constant 0.000000e+00 : f32
    %gt3A_187 = vector.broadcast %gt3A_186 : f32 to vector<784x128xf32>
    %gt3A_188 = arith.cmpf ogt, %add3A_185, %gt3A_187 : vector<784x128xf32>
    %mul3A_189 = vector.broadcast %get3A_6 : f32 to vector<784x128xf32>
    %mul3A_190 = arith.mulf %mul3A_189, %add3A_185 : vector<784x128xf32>
    %select_n3A_191 = arith.select %gt3A_188, %add3A_185, %mul3A_190 : vector<784x128xi1>, vector<784x128xf32>
    %get3A_192 = arith.constant 103 : index
    %get3A_193 = memref.load %arg2[%get3A_192] : memref<130xf32, #tpu.memory_space<smem>>
    %mul3A_194 = vector.broadcast %get3A_193 : f32 to vector<784x128xf32>
    %mul3A_195 = arith.mulf %select_n3A_191, %mul3A_194 : vector<784x128xf32>
    %add3A_196 = arith.addf %add3A_172, %mul3A_195 : vector<784x128xf32>
    %get3A_197 = arith.constant 8 : index
    %get3A_198 = memref.load %arg2[%get3A_197] : memref<130xf32, #tpu.memory_space<smem>>
    %mul3A_199 = vector.broadcast %get3A_198 : f32 to vector<784x128xf32>
    %mul3A_200 = arith.mulf %get3A_1, %mul3A_199 : vector<784x128xf32>
    %get3A_201 = arith.constant 40 : index
    %get3A_202 = memref.load %arg2[%get3A_201] : memref<130xf32, #tpu.memory_space<smem>>
    %mul3A_203 = vector.broadcast %get3A_202 : f32 to vector<784x128xf32>
    %mul3A_204 = arith.mulf %get3A_4, %mul3A_203 : vector<784x128xf32>
    %add3A_205 = arith.addf %mul3A_200, %mul3A_204 : vector<784x128xf32>
    %get3A_206 = arith.constant 72 : index
    %get3A_207 = memref.load %arg2[%get3A_206] : memref<130xf32, #tpu.memory_space<smem>>
    %add3A_208 = vector.broadcast %get3A_207 : f32 to vector<784x128xf32>
    %add3A_209 = arith.addf %add3A_205, %add3A_208 : vector<784x128xf32>
    %gt3A_210 = arith.constant 0.000000e+00 : f32
    %gt3A_211 = vector.broadcast %gt3A_210 : f32 to vector<784x128xf32>
    %gt3A_212 = arith.cmpf ogt, %add3A_209, %gt3A_211 : vector<784x128xf32>
    %mul3A_213 = vector.broadcast %get3A_6 : f32 to vector<784x128xf32>
    %mul3A_214 = arith.mulf %mul3A_213, %add3A_209 : vector<784x128xf32>
    %select_n3A_215 = arith.select %gt3A_212, %add3A_209, %mul3A_214 : vector<784x128xi1>, vector<784x128xf32>
    %get3A_216 = arith.constant 104 : index
    %get3A_217 = memref.load %arg2[%get3A_216] : memref<130xf32, #tpu.memory_space<smem>>
    %mul3A_218 = vector.broadcast %get3A_217 : f32 to vector<784x128xf32>
    %mul3A_219 = arith.mulf %select_n3A_215, %mul3A_218 : vector<784x128xf32>
    %add3A_220 = arith.addf %add3A_196, %mul3A_219 : vector<784x128xf32>
    %get3A_221 = arith.constant 9 : index
    %get3A_222 = memref.load %arg2[%get3A_221] : memref<130xf32, #tpu.memory_space<smem>>
    %mul3A_223 = vector.broadcast %get3A_222 : f32 to vector<784x128xf32>
    %mul3A_224 = arith.mulf %get3A_1, %mul3A_223 : vector<784x128xf32>
    %get3A_225 = arith.constant 41 : index
    %get3A_226 = memref.load %arg2[%get3A_225] : memref<130xf32, #tpu.memory_space<smem>>
    %mul3A_227 = vector.broadcast %get3A_226 : f32 to vector<784x128xf32>
    %mul3A_228 = arith.mulf %get3A_4, %mul3A_227 : vector<784x128xf32>
    %add3A_229 = arith.addf %mul3A_224, %mul3A_228 : vector<784x128xf32>
    %get3A_230 = arith.constant 73 : index
    %get3A_231 = memref.load %arg2[%get3A_230] : memref<130xf32, #tpu.memory_space<smem>>
    %add3A_232 = vector.broadcast %get3A_231 : f32 to vector<784x128xf32>
    %add3A_233 = arith.addf %add3A_229, %add3A_232 : vector<784x128xf32>
    %gt3A_234 = arith.constant 0.000000e+00 : f32
    %gt3A_235 = vector.broadcast %gt3A_234 : f32 to vector<784x128xf32>
    %gt3A_236 = arith.cmpf ogt, %add3A_233, %gt3A_235 : vector<784x128xf32>
    %mul3A_237 = vector.broadcast %get3A_6 : f32 to vector<784x128xf32>
    %mul3A_238 = arith.mulf %mul3A_237, %add3A_233 : vector<784x128xf32>
    %select_n3A_239 = arith.select %gt3A_236, %add3A_233, %mul3A_238 : vector<784x128xi1>, vector<784x128xf32>
    %get3A_240 = arith.constant 105 : index
    %get3A_241 = memref.load %arg2[%get3A_240] : memref<130xf32, #tpu.memory_space<smem>>
    %mul3A_242 = vector.broadcast %get3A_241 : f32 to vector<784x128xf32>
    %mul3A_243 = arith.mulf %select_n3A_239, %mul3A_242 : vector<784x128xf32>
    %add3A_244 = arith.addf %add3A_220, %mul3A_243 : vector<784x128xf32>
    %get3A_245 = arith.constant 10 : index
    %get3A_246 = memref.load %arg2[%get3A_245] : memref<130xf32, #tpu.memory_space<smem>>
    %mul3A_247 = vector.broadcast %get3A_246 : f32 to vector<784x128xf32>
    %mul3A_248 = arith.mulf %get3A_1, %mul3A_247 : vector<784x128xf32>
    %get3A_249 = arith.constant 42 : index
    %get3A_250 = memref.load %arg2[%get3A_249] : memref<130xf32, #tpu.memory_space<smem>>
    %mul3A_251 = vector.broadcast %get3A_250 : f32 to vector<784x128xf32>
    %mul3A_252 = arith.mulf %get3A_4, %mul3A_251 : vector<784x128xf32>
    %add3A_253 = arith.addf %mul3A_248, %mul3A_252 : vector<784x128xf32>
    %get3A_254 = arith.constant 74 : index
    %get3A_255 = memref.load %arg2[%get3A_254] : memref<130xf32, #tpu.memory_space<smem>>
    %add3A_256 = vector.broadcast %get3A_255 : f32 to vector<784x128xf32>
    %add3A_257 = arith.addf %add3A_253, %add3A_256 : vector<784x128xf32>
    %gt3A_258 = arith.constant 0.000000e+00 : f32
    %gt3A_259 = vector.broadcast %gt3A_258 : f32 to vector<784x128xf32>
    %gt3A_260 = arith.cmpf ogt, %add3A_257, %gt3A_259 : vector<784x128xf32>
    %mul3A_261 = vector.broadcast %get3A_6 : f32 to vector<784x128xf32>
    %mul3A_262 = arith.mulf %mul3A_261, %add3A_257 : vector<784x128xf32>
    %select_n3A_263 = arith.select %gt3A_260, %add3A_257, %mul3A_262 : vector<784x128xi1>, vector<784x128xf32>
    %get3A_264 = arith.constant 106 : index
    %get3A_265 = memref.load %arg2[%get3A_264] : memref<130xf32, #tpu.memory_space<smem>>
    %mul3A_266 = vector.broadcast %get3A_265 : f32 to vector<784x128xf32>
    %mul3A_267 = arith.mulf %select_n3A_263, %mul3A_266 : vector<784x128xf32>
    %add3A_268 = arith.addf %add3A_244, %mul3A_267 : vector<784x128xf32>
    %get3A_269 = arith.constant 11 : index
    %get3A_270 = memref.load %arg2[%get3A_269] : memref<130xf32, #tpu.memory_space<smem>>
    %mul3A_271 = vector.broadcast %get3A_270 : f32 to vector<784x128xf32>
    %mul3A_272 = arith.mulf %get3A_1, %mul3A_271 : vector<784x128xf32>
    %get3A_273 = arith.constant 43 : index
    %get3A_274 = memref.load %arg2[%get3A_273] : memref<130xf32, #tpu.memory_space<smem>>
    %mul3A_275 = vector.broadcast %get3A_274 : f32 to vector<784x128xf32>
    %mul3A_276 = arith.mulf %get3A_4, %mul3A_275 : vector<784x128xf32>
    %add3A_277 = arith.addf %mul3A_272, %mul3A_276 : vector<784x128xf32>
    %get3A_278 = arith.constant 75 : index
    %get3A_279 = memref.load %arg2[%get3A_278] : memref<130xf32, #tpu.memory_space<smem>>
    %add3A_280 = vector.broadcast %get3A_279 : f32 to vector<784x128xf32>
    %add3A_281 = arith.addf %add3A_277, %add3A_280 : vector<784x128xf32>
    %gt3A_282 = arith.constant 0.000000e+00 : f32
    %gt3A_283 = vector.broadcast %gt3A_282 : f32 to vector<784x128xf32>
    %gt3A_284 = arith.cmpf ogt, %add3A_281, %gt3A_283 : vector<784x128xf32>
    %mul3A_285 = vector.broadcast %get3A_6 : f32 to vector<784x128xf32>
    %mul3A_286 = arith.mulf %mul3A_285, %add3A_281 : vector<784x128xf32>
    %select_n3A_287 = arith.select %gt3A_284, %add3A_281, %mul3A_286 : vector<784x128xi1>, vector<784x128xf32>
    %get3A_288 = arith.constant 107 : index
    %get3A_289 = memref.load %arg2[%get3A_288] : memref<130xf32, #tpu.memory_space<smem>>
    %mul3A_290 = vector.broadcast %get3A_289 : f32 to vector<784x128xf32>
    %mul3A_291 = arith.mulf %select_n3A_287, %mul3A_290 : vector<784x128xf32>
    %add3A_292 = arith.addf %add3A_268, %mul3A_291 : vector<784x128xf32>
    %get3A_293 = arith.constant 12 : index
    %get3A_294 = memref.load %arg2[%get3A_293] : memref<130xf32, #tpu.memory_space<smem>>
    %mul3A_295 = vector.broadcast %get3A_294 : f32 to vector<784x128xf32>
    %mul3A_296 = arith.mulf %get3A_1, %mul3A_295 : vector<784x128xf32>
    %get3A_297 = arith.constant 44 : index
    %get3A_298 = memref.load %arg2[%get3A_297] : memref<130xf32, #tpu.memory_space<smem>>
    %mul3A_299 = vector.broadcast %get3A_298 : f32 to vector<784x128xf32>
    %mul3A_300 = arith.mulf %get3A_4, %mul3A_299 : vector<784x128xf32>
    %add3A_301 = arith.addf %mul3A_296, %mul3A_300 : vector<784x128xf32>
    %get3A_302 = arith.constant 76 : index
    %get3A_303 = memref.load %arg2[%get3A_302] : memref<130xf32, #tpu.memory_space<smem>>
    %add3A_304 = vector.broadcast %get3A_303 : f32 to vector<784x128xf32>
    %add3A_305 = arith.addf %add3A_301, %add3A_304 : vector<784x128xf32>
    %gt3A_306 = arith.constant 0.000000e+00 : f32
    %gt3A_307 = vector.broadcast %gt3A_306 : f32 to vector<784x128xf32>
    %gt3A_308 = arith.cmpf ogt, %add3A_305, %gt3A_307 : vector<784x128xf32>
    %mul3A_309 = vector.broadcast %get3A_6 : f32 to vector<784x128xf32>
    %mul3A_310 = arith.mulf %mul3A_309, %add3A_305 : vector<784x128xf32>
    %select_n3A_311 = arith.select %gt3A_308, %add3A_305, %mul3A_310 : vector<784x128xi1>, vector<784x128xf32>
    %get3A_312 = arith.constant 108 : index
    %get3A_313 = memref.load %arg2[%get3A_312] : memref<130xf32, #tpu.memory_space<smem>>
    %mul3A_314 = vector.broadcast %get3A_313 : f32 to vector<784x128xf32>
    %mul3A_315 = arith.mulf %select_n3A_311, %mul3A_314 : vector<784x128xf32>
    %add3A_316 = arith.addf %add3A_292, %mul3A_315 : vector<784x128xf32>
    %get3A_317 = arith.constant 13 : index
    %get3A_318 = memref.load %arg2[%get3A_317] : memref<130xf32, #tpu.memory_space<smem>>
    %mul3A_319 = vector.broadcast %get3A_318 : f32 to vector<784x128xf32>
    %mul3A_320 = arith.mulf %get3A_1, %mul3A_319 : vector<784x128xf32>
    %get3A_321 = arith.constant 45 : index
    %get3A_322 = memref.load %arg2[%get3A_321] : memref<130xf32, #tpu.memory_space<smem>>
    %mul3A_323 = vector.broadcast %get3A_322 : f32 to vector<784x128xf32>
    %mul3A_324 = arith.mulf %get3A_4, %mul3A_323 : vector<784x128xf32>
    %add3A_325 = arith.addf %mul3A_320, %mul3A_324 : vector<784x128xf32>
    %get3A_326 = arith.constant 77 : index
    %get3A_327 = memref.load %arg2[%get3A_326] : memref<130xf32, #tpu.memory_space<smem>>
    %add3A_328 = vector.broadcast %get3A_327 : f32 to vector<784x128xf32>
    %add3A_329 = arith.addf %add3A_325, %add3A_328 : vector<784x128xf32>
    %gt3A_330 = arith.constant 0.000000e+00 : f32
    %gt3A_331 = vector.broadcast %gt3A_330 : f32 to vector<784x128xf32>
    %gt3A_332 = arith.cmpf ogt, %add3A_329, %gt3A_331 : vector<784x128xf32>
    %mul3A_333 = vector.broadcast %get3A_6 : f32 to vector<784x128xf32>
    %mul3A_334 = arith.mulf %mul3A_333, %add3A_329 : vector<784x128xf32>
    %select_n3A_335 = arith.select %gt3A_332, %add3A_329, %mul3A_334 : vector<784x128xi1>, vector<784x128xf32>
    %get3A_336 = arith.constant 109 : index
    %get3A_337 = memref.load %arg2[%get3A_336] : memref<130xf32, #tpu.memory_space<smem>>
    %mul3A_338 = vector.broadcast %get3A_337 : f32 to vector<784x128xf32>
    %mul3A_339 = arith.mulf %select_n3A_335, %mul3A_338 : vector<784x128xf32>
    %add3A_340 = arith.addf %add3A_316, %mul3A_339 : vector<784x128xf32>
    %get3A_341 = arith.constant 14 : index
    %get3A_342 = memref.load %arg2[%get3A_341] : memref<130xf32, #tpu.memory_space<smem>>
    %mul3A_343 = vector.broadcast %get3A_342 : f32 to vector<784x128xf32>
    %mul3A_344 = arith.mulf %get3A_1, %mul3A_343 : vector<784x128xf32>
    %get3A_345 = arith.constant 46 : index
    %get3A_346 = memref.load %arg2[%get3A_345] : memref<130xf32, #tpu.memory_space<smem>>
    %mul3A_347 = vector.broadcast %get3A_346 : f32 to vector<784x128xf32>
    %mul3A_348 = arith.mulf %get3A_4, %mul3A_347 : vector<784x128xf32>
    %add3A_349 = arith.addf %mul3A_344, %mul3A_348 : vector<784x128xf32>
    %get3A_350 = arith.constant 78 : index
    %get3A_351 = memref.load %arg2[%get3A_350] : memref<130xf32, #tpu.memory_space<smem>>
    %add3A_352 = vector.broadcast %get3A_351 : f32 to vector<784x128xf32>
    %add3A_353 = arith.addf %add3A_349, %add3A_352 : vector<784x128xf32>
    %gt3A_354 = arith.constant 0.000000e+00 : f32
    %gt3A_355 = vector.broadcast %gt3A_354 : f32 to vector<784x128xf32>
    %gt3A_356 = arith.cmpf ogt, %add3A_353, %gt3A_355 : vector<784x128xf32>
    %mul3A_357 = vector.broadcast %get3A_6 : f32 to vector<784x128xf32>
    %mul3A_358 = arith.mulf %mul3A_357, %add3A_353 : vector<784x128xf32>
    %select_n3A_359 = arith.select %gt3A_356, %add3A_353, %mul3A_358 : vector<784x128xi1>, vector<784x128xf32>
    %get3A_360 = arith.constant 110 : index
    %get3A_361 = memref.load %arg2[%get3A_360] : memref<130xf32, #tpu.memory_space<smem>>
    %mul3A_362 = vector.broadcast %get3A_361 : f32 to vector<784x128xf32>
    %mul3A_363 = arith.mulf %select_n3A_359, %mul3A_362 : vector<784x128xf32>
    %add3A_364 = arith.addf %add3A_340, %mul3A_363 : vector<784x128xf32>
    %get3A_365 = arith.constant 15 : index
    %get3A_366 = memref.load %arg2[%get3A_365] : memref<130xf32, #tpu.memory_space<smem>>
    %mul3A_367 = vector.broadcast %get3A_366 : f32 to vector<784x128xf32>
    %mul3A_368 = arith.mulf %get3A_1, %mul3A_367 : vector<784x128xf32>
    %get3A_369 = arith.constant 47 : index
    %get3A_370 = memref.load %arg2[%get3A_369] : memref<130xf32, #tpu.memory_space<smem>>
    %mul3A_371 = vector.broadcast %get3A_370 : f32 to vector<784x128xf32>
    %mul3A_372 = arith.mulf %get3A_4, %mul3A_371 : vector<784x128xf32>
    %add3A_373 = arith.addf %mul3A_368, %mul3A_372 : vector<784x128xf32>
    %get3A_374 = arith.constant 79 : index
    %get3A_375 = memref.load %arg2[%get3A_374] : memref<130xf32, #tpu.memory_space<smem>>
    %add3A_376 = vector.broadcast %get3A_375 : f32 to vector<784x128xf32>
    %add3A_377 = arith.addf %add3A_373, %add3A_376 : vector<784x128xf32>
    %gt3A_378 = arith.constant 0.000000e+00 : f32
    %gt3A_379 = vector.broadcast %gt3A_378 : f32 to vector<784x128xf32>
    %gt3A_380 = arith.cmpf ogt, %add3A_377, %gt3A_379 : vector<784x128xf32>
    %mul3A_381 = vector.broadcast %get3A_6 : f32 to vector<784x128xf32>
    %mul3A_382 = arith.mulf %mul3A_381, %add3A_377 : vector<784x128xf32>
    %select_n3A_383 = arith.select %gt3A_380, %add3A_377, %mul3A_382 : vector<784x128xi1>, vector<784x128xf32>
    %get3A_384 = arith.constant 111 : index
    %get3A_385 = memref.load %arg2[%get3A_384] : memref<130xf32, #tpu.memory_space<smem>>
    %mul3A_386 = vector.broadcast %get3A_385 : f32 to vector<784x128xf32>
    %mul3A_387 = arith.mulf %select_n3A_383, %mul3A_386 : vector<784x128xf32>
    %add3A_388 = arith.addf %add3A_364, %mul3A_387 : vector<784x128xf32>
    %get3A_389 = arith.constant 16 : index
    %get3A_390 = memref.load %arg2[%get3A_389] : memref<130xf32, #tpu.memory_space<smem>>
    %mul3A_391 = vector.broadcast %get3A_390 : f32 to vector<784x128xf32>
    %mul3A_392 = arith.mulf %get3A_1, %mul3A_391 : vector<784x128xf32>
    %get3A_393 = arith.constant 48 : index
    %get3A_394 = memref.load %arg2[%get3A_393] : memref<130xf32, #tpu.memory_space<smem>>
    %mul3A_395 = vector.broadcast %get3A_394 : f32 to vector<784x128xf32>
    %mul3A_396 = arith.mulf %get3A_4, %mul3A_395 : vector<784x128xf32>
    %add3A_397 = arith.addf %mul3A_392, %mul3A_396 : vector<784x128xf32>
    %get3A_398 = arith.constant 80 : index
    %get3A_399 = memref.load %arg2[%get3A_398] : memref<130xf32, #tpu.memory_space<smem>>
    %add3A_400 = vector.broadcast %get3A_399 : f32 to vector<784x128xf32>
    %add3A_401 = arith.addf %add3A_397, %add3A_400 : vector<784x128xf32>
    %gt3A_402 = arith.constant 0.000000e+00 : f32
    %gt3A_403 = vector.broadcast %gt3A_402 : f32 to vector<784x128xf32>
    %gt3A_404 = arith.cmpf ogt, %add3A_401, %gt3A_403 : vector<784x128xf32>
    %mul3A_405 = vector.broadcast %get3A_6 : f32 to vector<784x128xf32>
    %mul3A_406 = arith.mulf %mul3A_405, %add3A_401 : vector<784x128xf32>
    %select_n3A_407 = arith.select %gt3A_404, %add3A_401, %mul3A_406 : vector<784x128xi1>, vector<784x128xf32>
    %get3A_408 = arith.constant 112 : index
    %get3A_409 = memref.load %arg2[%get3A_408] : memref<130xf32, #tpu.memory_space<smem>>
    %mul3A_410 = vector.broadcast %get3A_409 : f32 to vector<784x128xf32>
    %mul3A_411 = arith.mulf %select_n3A_407, %mul3A_410 : vector<784x128xf32>
    %add3A_412 = arith.addf %add3A_388, %mul3A_411 : vector<784x128xf32>
    %get3A_413 = arith.constant 17 : index
    %get3A_414 = memref.load %arg2[%get3A_413] : memref<130xf32, #tpu.memory_space<smem>>
    %mul3A_415 = vector.broadcast %get3A_414 : f32 to vector<784x128xf32>
    %mul3A_416 = arith.mulf %get3A_1, %mul3A_415 : vector<784x128xf32>
    %get3A_417 = arith.constant 49 : index
    %get3A_418 = memref.load %arg2[%get3A_417] : memref<130xf32, #tpu.memory_space<smem>>
    %mul3A_419 = vector.broadcast %get3A_418 : f32 to vector<784x128xf32>
    %mul3A_420 = arith.mulf %get3A_4, %mul3A_419 : vector<784x128xf32>
    %add3A_421 = arith.addf %mul3A_416, %mul3A_420 : vector<784x128xf32>
    %get3A_422 = arith.constant 81 : index
    %get3A_423 = memref.load %arg2[%get3A_422] : memref<130xf32, #tpu.memory_space<smem>>
    %add3A_424 = vector.broadcast %get3A_423 : f32 to vector<784x128xf32>
    %add3A_425 = arith.addf %add3A_421, %add3A_424 : vector<784x128xf32>
    %gt3A_426 = arith.constant 0.000000e+00 : f32
    %gt3A_427 = vector.broadcast %gt3A_426 : f32 to vector<784x128xf32>
    %gt3A_428 = arith.cmpf ogt, %add3A_425, %gt3A_427 : vector<784x128xf32>
    %mul3A_429 = vector.broadcast %get3A_6 : f32 to vector<784x128xf32>
    %mul3A_430 = arith.mulf %mul3A_429, %add3A_425 : vector<784x128xf32>
    %select_n3A_431 = arith.select %gt3A_428, %add3A_425, %mul3A_430 : vector<784x128xi1>, vector<784x128xf32>
    %get3A_432 = arith.constant 113 : index
    %get3A_433 = memref.load %arg2[%get3A_432] : memref<130xf32, #tpu.memory_space<smem>>
    %mul3A_434 = vector.broadcast %get3A_433 : f32 to vector<784x128xf32>
    %mul3A_435 = arith.mulf %select_n3A_431, %mul3A_434 : vector<784x128xf32>
    %add3A_436 = arith.addf %add3A_412, %mul3A_435 : vector<784x128xf32>
    %get3A_437 = arith.constant 18 : index
    %get3A_438 = memref.load %arg2[%get3A_437] : memref<130xf32, #tpu.memory_space<smem>>
    %mul3A_439 = vector.broadcast %get3A_438 : f32 to vector<784x128xf32>
    %mul3A_440 = arith.mulf %get3A_1, %mul3A_439 : vector<784x128xf32>
    %get3A_441 = arith.constant 50 : index
    %get3A_442 = memref.load %arg2[%get3A_441] : memref<130xf32, #tpu.memory_space<smem>>
    %mul3A_443 = vector.broadcast %get3A_442 : f32 to vector<784x128xf32>
    %mul3A_444 = arith.mulf %get3A_4, %mul3A_443 : vector<784x128xf32>
    %add3A_445 = arith.addf %mul3A_440, %mul3A_444 : vector<784x128xf32>
    %get3A_446 = arith.constant 82 : index
    %get3A_447 = memref.load %arg2[%get3A_446] : memref<130xf32, #tpu.memory_space<smem>>
    %add3A_448 = vector.broadcast %get3A_447 : f32 to vector<784x128xf32>
    %add3A_449 = arith.addf %add3A_445, %add3A_448 : vector<784x128xf32>
    %gt3A_450 = arith.constant 0.000000e+00 : f32
    %gt3A_451 = vector.broadcast %gt3A_450 : f32 to vector<784x128xf32>
    %gt3A_452 = arith.cmpf ogt, %add3A_449, %gt3A_451 : vector<784x128xf32>
    %mul3A_453 = vector.broadcast %get3A_6 : f32 to vector<784x128xf32>
    %mul3A_454 = arith.mulf %mul3A_453, %add3A_449 : vector<784x128xf32>
    %select_n3A_455 = arith.select %gt3A_452, %add3A_449, %mul3A_454 : vector<784x128xi1>, vector<784x128xf32>
    %get3A_456 = arith.constant 114 : index
    %get3A_457 = memref.load %arg2[%get3A_456] : memref<130xf32, #tpu.memory_space<smem>>
    %mul3A_458 = vector.broadcast %get3A_457 : f32 to vector<784x128xf32>
    %mul3A_459 = arith.mulf %select_n3A_455, %mul3A_458 : vector<784x128xf32>
    %add3A_460 = arith.addf %add3A_436, %mul3A_459 : vector<784x128xf32>
    %get3A_461 = arith.constant 19 : index
    %get3A_462 = memref.load %arg2[%get3A_461] : memref<130xf32, #tpu.memory_space<smem>>
    %mul3A_463 = vector.broadcast %get3A_462 : f32 to vector<784x128xf32>
    %mul3A_464 = arith.mulf %get3A_1, %mul3A_463 : vector<784x128xf32>
    %get3A_465 = arith.constant 51 : index
    %get3A_466 = memref.load %arg2[%get3A_465] : memref<130xf32, #tpu.memory_space<smem>>
    %mul3A_467 = vector.broadcast %get3A_466 : f32 to vector<784x128xf32>
    %mul3A_468 = arith.mulf %get3A_4, %mul3A_467 : vector<784x128xf32>
    %add3A_469 = arith.addf %mul3A_464, %mul3A_468 : vector<784x128xf32>
    %get3A_470 = arith.constant 83 : index
    %get3A_471 = memref.load %arg2[%get3A_470] : memref<130xf32, #tpu.memory_space<smem>>
    %add3A_472 = vector.broadcast %get3A_471 : f32 to vector<784x128xf32>
    %add3A_473 = arith.addf %add3A_469, %add3A_472 : vector<784x128xf32>
    %gt3A_474 = arith.constant 0.000000e+00 : f32
    %gt3A_475 = vector.broadcast %gt3A_474 : f32 to vector<784x128xf32>
    %gt3A_476 = arith.cmpf ogt, %add3A_473, %gt3A_475 : vector<784x128xf32>
    %mul3A_477 = vector.broadcast %get3A_6 : f32 to vector<784x128xf32>
    %mul3A_478 = arith.mulf %mul3A_477, %add3A_473 : vector<784x128xf32>
    %select_n3A_479 = arith.select %gt3A_476, %add3A_473, %mul3A_478 : vector<784x128xi1>, vector<784x128xf32>
    %get3A_480 = arith.constant 115 : index
    %get3A_481 = memref.load %arg2[%get3A_480] : memref<130xf32, #tpu.memory_space<smem>>
    %mul3A_482 = vector.broadcast %get3A_481 : f32 to vector<784x128xf32>
    %mul3A_483 = arith.mulf %select_n3A_479, %mul3A_482 : vector<784x128xf32>
    %add3A_484 = arith.addf %add3A_460, %mul3A_483 : vector<784x128xf32>
    %get3A_485 = arith.constant 20 : index
    %get3A_486 = memref.load %arg2[%get3A_485] : memref<130xf32, #tpu.memory_space<smem>>
    %mul3A_487 = vector.broadcast %get3A_486 : f32 to vector<784x128xf32>
    %mul3A_488 = arith.mulf %get3A_1, %mul3A_487 : vector<784x128xf32>
    %get3A_489 = arith.constant 52 : index
    %get3A_490 = memref.load %arg2[%get3A_489] : memref<130xf32, #tpu.memory_space<smem>>
    %mul3A_491 = vector.broadcast %get3A_490 : f32 to vector<784x128xf32>
    %mul3A_492 = arith.mulf %get3A_4, %mul3A_491 : vector<784x128xf32>
    %add3A_493 = arith.addf %mul3A_488, %mul3A_492 : vector<784x128xf32>
    %get3A_494 = arith.constant 84 : index
    %get3A_495 = memref.load %arg2[%get3A_494] : memref<130xf32, #tpu.memory_space<smem>>
    %add3A_496 = vector.broadcast %get3A_495 : f32 to vector<784x128xf32>
    %add3A_497 = arith.addf %add3A_493, %add3A_496 : vector<784x128xf32>
    %gt3A_498 = arith.constant 0.000000e+00 : f32
    %gt3A_499 = vector.broadcast %gt3A_498 : f32 to vector<784x128xf32>
    %gt3A_500 = arith.cmpf ogt, %add3A_497, %gt3A_499 : vector<784x128xf32>
    %mul3A_501 = vector.broadcast %get3A_6 : f32 to vector<784x128xf32>
    %mul3A_502 = arith.mulf %mul3A_501, %add3A_497 : vector<784x128xf32>
    %select_n3A_503 = arith.select %gt3A_500, %add3A_497, %mul3A_502 : vector<784x128xi1>, vector<784x128xf32>
    %get3A_504 = arith.constant 116 : index
    %get3A_505 = memref.load %arg2[%get3A_504] : memref<130xf32, #tpu.memory_space<smem>>
    %mul3A_506 = vector.broadcast %get3A_505 : f32 to vector<784x128xf32>
    %mul3A_507 = arith.mulf %select_n3A_503, %mul3A_506 : vector<784x128xf32>
    %add3A_508 = arith.addf %add3A_484, %mul3A_507 : vector<784x128xf32>
    %get3A_509 = arith.constant 21 : index
    %get3A_510 = memref.load %arg2[%get3A_509] : memref<130xf32, #tpu.memory_space<smem>>
    %mul3A_511 = vector.broadcast %get3A_510 : f32 to vector<784x128xf32>
    %mul3A_512 = arith.mulf %get3A_1, %mul3A_511 : vector<784x128xf32>
    %get3A_513 = arith.constant 53 : index
    %get3A_514 = memref.load %arg2[%get3A_513] : memref<130xf32, #tpu.memory_space<smem>>
    %mul3A_515 = vector.broadcast %get3A_514 : f32 to vector<784x128xf32>
    %mul3A_516 = arith.mulf %get3A_4, %mul3A_515 : vector<784x128xf32>
    %add3A_517 = arith.addf %mul3A_512, %mul3A_516 : vector<784x128xf32>
    %get3A_518 = arith.constant 85 : index
    %get3A_519 = memref.load %arg2[%get3A_518] : memref<130xf32, #tpu.memory_space<smem>>
    %add3A_520 = vector.broadcast %get3A_519 : f32 to vector<784x128xf32>
    %add3A_521 = arith.addf %add3A_517, %add3A_520 : vector<784x128xf32>
    %gt3A_522 = arith.constant 0.000000e+00 : f32
    %gt3A_523 = vector.broadcast %gt3A_522 : f32 to vector<784x128xf32>
    %gt3A_524 = arith.cmpf ogt, %add3A_521, %gt3A_523 : vector<784x128xf32>
    %mul3A_525 = vector.broadcast %get3A_6 : f32 to vector<784x128xf32>
    %mul3A_526 = arith.mulf %mul3A_525, %add3A_521 : vector<784x128xf32>
    %select_n3A_527 = arith.select %gt3A_524, %add3A_521, %mul3A_526 : vector<784x128xi1>, vector<784x128xf32>
    %get3A_528 = arith.constant 117 : index
    %get3A_529 = memref.load %arg2[%get3A_528] : memref<130xf32, #tpu.memory_space<smem>>
    %mul3A_530 = vector.broadcast %get3A_529 : f32 to vector<784x128xf32>
    %mul3A_531 = arith.mulf %select_n3A_527, %mul3A_530 : vector<784x128xf32>
    %add3A_532 = arith.addf %add3A_508, %mul3A_531 : vector<784x128xf32>
    %get3A_533 = arith.constant 22 : index
    %get3A_534 = memref.load %arg2[%get3A_533] : memref<130xf32, #tpu.memory_space<smem>>
    %mul3A_535 = vector.broadcast %get3A_534 : f32 to vector<784x128xf32>
    %mul3A_536 = arith.mulf %get3A_1, %mul3A_535 : vector<784x128xf32>
    %get3A_537 = arith.constant 54 : index
    %get3A_538 = memref.load %arg2[%get3A_537] : memref<130xf32, #tpu.memory_space<smem>>
    %mul3A_539 = vector.broadcast %get3A_538 : f32 to vector<784x128xf32>
    %mul3A_540 = arith.mulf %get3A_4, %mul3A_539 : vector<784x128xf32>
    %add3A_541 = arith.addf %mul3A_536, %mul3A_540 : vector<784x128xf32>
    %get3A_542 = arith.constant 86 : index
    %get3A_543 = memref.load %arg2[%get3A_542] : memref<130xf32, #tpu.memory_space<smem>>
    %add3A_544 = vector.broadcast %get3A_543 : f32 to vector<784x128xf32>
    %add3A_545 = arith.addf %add3A_541, %add3A_544 : vector<784x128xf32>
    %gt3A_546 = arith.constant 0.000000e+00 : f32
    %gt3A_547 = vector.broadcast %gt3A_546 : f32 to vector<784x128xf32>
    %gt3A_548 = arith.cmpf ogt, %add3A_545, %gt3A_547 : vector<784x128xf32>
    %mul3A_549 = vector.broadcast %get3A_6 : f32 to vector<784x128xf32>
    %mul3A_550 = arith.mulf %mul3A_549, %add3A_545 : vector<784x128xf32>
    %select_n3A_551 = arith.select %gt3A_548, %add3A_545, %mul3A_550 : vector<784x128xi1>, vector<784x128xf32>
    %get3A_552 = arith.constant 118 : index
    %get3A_553 = memref.load %arg2[%get3A_552] : memref<130xf32, #tpu.memory_space<smem>>
    %mul3A_554 = vector.broadcast %get3A_553 : f32 to vector<784x128xf32>
    %mul3A_555 = arith.mulf %select_n3A_551, %mul3A_554 : vector<784x128xf32>
    %add3A_556 = arith.addf %add3A_532, %mul3A_555 : vector<784x128xf32>
    %get3A_557 = arith.constant 23 : index
    %get3A_558 = memref.load %arg2[%get3A_557] : memref<130xf32, #tpu.memory_space<smem>>
    %mul3A_559 = vector.broadcast %get3A_558 : f32 to vector<784x128xf32>
    %mul3A_560 = arith.mulf %get3A_1, %mul3A_559 : vector<784x128xf32>
    %get3A_561 = arith.constant 55 : index
    %get3A_562 = memref.load %arg2[%get3A_561] : memref<130xf32, #tpu.memory_space<smem>>
    %mul3A_563 = vector.broadcast %get3A_562 : f32 to vector<784x128xf32>
    %mul3A_564 = arith.mulf %get3A_4, %mul3A_563 : vector<784x128xf32>
    %add3A_565 = arith.addf %mul3A_560, %mul3A_564 : vector<784x128xf32>
    %get3A_566 = arith.constant 87 : index
    %get3A_567 = memref.load %arg2[%get3A_566] : memref<130xf32, #tpu.memory_space<smem>>
    %add3A_568 = vector.broadcast %get3A_567 : f32 to vector<784x128xf32>
    %add3A_569 = arith.addf %add3A_565, %add3A_568 : vector<784x128xf32>
    %gt3A_570 = arith.constant 0.000000e+00 : f32
    %gt3A_571 = vector.broadcast %gt3A_570 : f32 to vector<784x128xf32>
    %gt3A_572 = arith.cmpf ogt, %add3A_569, %gt3A_571 : vector<784x128xf32>
    %mul3A_573 = vector.broadcast %get3A_6 : f32 to vector<784x128xf32>
    %mul3A_574 = arith.mulf %mul3A_573, %add3A_569 : vector<784x128xf32>
    %select_n3A_575 = arith.select %gt3A_572, %add3A_569, %mul3A_574 : vector<784x128xi1>, vector<784x128xf32>
    %get3A_576 = arith.constant 119 : index
    %get3A_577 = memref.load %arg2[%get3A_576] : memref<130xf32, #tpu.memory_space<smem>>
    %mul3A_578 = vector.broadcast %get3A_577 : f32 to vector<784x128xf32>
    %mul3A_579 = arith.mulf %select_n3A_575, %mul3A_578 : vector<784x128xf32>
    %add3A_580 = arith.addf %add3A_556, %mul3A_579 : vector<784x128xf32>
    %get3A_581 = arith.constant 24 : index
    %get3A_582 = memref.load %arg2[%get3A_581] : memref<130xf32, #tpu.memory_space<smem>>
    %mul3A_583 = vector.broadcast %get3A_582 : f32 to vector<784x128xf32>
    %mul3A_584 = arith.mulf %get3A_1, %mul3A_583 : vector<784x128xf32>
    %get3A_585 = arith.constant 56 : index
    %get3A_586 = memref.load %arg2[%get3A_585] : memref<130xf32, #tpu.memory_space<smem>>
    %mul3A_587 = vector.broadcast %get3A_586 : f32 to vector<784x128xf32>
    %mul3A_588 = arith.mulf %get3A_4, %mul3A_587 : vector<784x128xf32>
    %add3A_589 = arith.addf %mul3A_584, %mul3A_588 : vector<784x128xf32>
    %get3A_590 = arith.constant 88 : index
    %get3A_591 = memref.load %arg2[%get3A_590] : memref<130xf32, #tpu.memory_space<smem>>
    %add3A_592 = vector.broadcast %get3A_591 : f32 to vector<784x128xf32>
    %add3A_593 = arith.addf %add3A_589, %add3A_592 : vector<784x128xf32>
    %gt3A_594 = arith.constant 0.000000e+00 : f32
    %gt3A_595 = vector.broadcast %gt3A_594 : f32 to vector<784x128xf32>
    %gt3A_596 = arith.cmpf ogt, %add3A_593, %gt3A_595 : vector<784x128xf32>
    %mul3A_597 = vector.broadcast %get3A_6 : f32 to vector<784x128xf32>
    %mul3A_598 = arith.mulf %mul3A_597, %add3A_593 : vector<784x128xf32>
    %select_n3A_599 = arith.select %gt3A_596, %add3A_593, %mul3A_598 : vector<784x128xi1>, vector<784x128xf32>
    %get3A_600 = arith.constant 120 : index
    %get3A_601 = memref.load %arg2[%get3A_600] : memref<130xf32, #tpu.memory_space<smem>>
    %mul3A_602 = vector.broadcast %get3A_601 : f32 to vector<784x128xf32>
    %mul3A_603 = arith.mulf %select_n3A_599, %mul3A_602 : vector<784x128xf32>
    %add3A_604 = arith.addf %add3A_580, %mul3A_603 : vector<784x128xf32>
    %get3A_605 = arith.constant 25 : index
    %get3A_606 = memref.load %arg2[%get3A_605] : memref<130xf32, #tpu.memory_space<smem>>
    %mul3A_607 = vector.broadcast %get3A_606 : f32 to vector<784x128xf32>
    %mul3A_608 = arith.mulf %get3A_1, %mul3A_607 : vector<784x128xf32>
    %get3A_609 = arith.constant 57 : index
    %get3A_610 = memref.load %arg2[%get3A_609] : memref<130xf32, #tpu.memory_space<smem>>
    %mul3A_611 = vector.broadcast %get3A_610 : f32 to vector<784x128xf32>
    %mul3A_612 = arith.mulf %get3A_4, %mul3A_611 : vector<784x128xf32>
    %add3A_613 = arith.addf %mul3A_608, %mul3A_612 : vector<784x128xf32>
    %get3A_614 = arith.constant 89 : index
    %get3A_615 = memref.load %arg2[%get3A_614] : memref<130xf32, #tpu.memory_space<smem>>
    %add3A_616 = vector.broadcast %get3A_615 : f32 to vector<784x128xf32>
    %add3A_617 = arith.addf %add3A_613, %add3A_616 : vector<784x128xf32>
    %gt3A_618 = arith.constant 0.000000e+00 : f32
    %gt3A_619 = vector.broadcast %gt3A_618 : f32 to vector<784x128xf32>
    %gt3A_620 = arith.cmpf ogt, %add3A_617, %gt3A_619 : vector<784x128xf32>
    %mul3A_621 = vector.broadcast %get3A_6 : f32 to vector<784x128xf32>
    %mul3A_622 = arith.mulf %mul3A_621, %add3A_617 : vector<784x128xf32>
    %select_n3A_623 = arith.select %gt3A_620, %add3A_617, %mul3A_622 : vector<784x128xi1>, vector<784x128xf32>
    %get3A_624 = arith.constant 121 : index
    %get3A_625 = memref.load %arg2[%get3A_624] : memref<130xf32, #tpu.memory_space<smem>>
    %mul3A_626 = vector.broadcast %get3A_625 : f32 to vector<784x128xf32>
    %mul3A_627 = arith.mulf %select_n3A_623, %mul3A_626 : vector<784x128xf32>
    %add3A_628 = arith.addf %add3A_604, %mul3A_627 : vector<784x128xf32>
    %get3A_629 = arith.constant 26 : index
    %get3A_630 = memref.load %arg2[%get3A_629] : memref<130xf32, #tpu.memory_space<smem>>
    %mul3A_631 = vector.broadcast %get3A_630 : f32 to vector<784x128xf32>
    %mul3A_632 = arith.mulf %get3A_1, %mul3A_631 : vector<784x128xf32>
    %get3A_633 = arith.constant 58 : index
    %get3A_634 = memref.load %arg2[%get3A_633] : memref<130xf32, #tpu.memory_space<smem>>
    %mul3A_635 = vector.broadcast %get3A_634 : f32 to vector<784x128xf32>
    %mul3A_636 = arith.mulf %get3A_4, %mul3A_635 : vector<784x128xf32>
    %add3A_637 = arith.addf %mul3A_632, %mul3A_636 : vector<784x128xf32>
    %get3A_638 = arith.constant 90 : index
    %get3A_639 = memref.load %arg2[%get3A_638] : memref<130xf32, #tpu.memory_space<smem>>
    %add3A_640 = vector.broadcast %get3A_639 : f32 to vector<784x128xf32>
    %add3A_641 = arith.addf %add3A_637, %add3A_640 : vector<784x128xf32>
    %gt3A_642 = arith.constant 0.000000e+00 : f32
    %gt3A_643 = vector.broadcast %gt3A_642 : f32 to vector<784x128xf32>
    %gt3A_644 = arith.cmpf ogt, %add3A_641, %gt3A_643 : vector<784x128xf32>
    %mul3A_645 = vector.broadcast %get3A_6 : f32 to vector<784x128xf32>
    %mul3A_646 = arith.mulf %mul3A_645, %add3A_641 : vector<784x128xf32>
    %select_n3A_647 = arith.select %gt3A_644, %add3A_641, %mul3A_646 : vector<784x128xi1>, vector<784x128xf32>
    %get3A_648 = arith.constant 122 : index
    %get3A_649 = memref.load %arg2[%get3A_648] : memref<130xf32, #tpu.memory_space<smem>>
    %mul3A_650 = vector.broadcast %get3A_649 : f32 to vector<784x128xf32>
    %mul3A_651 = arith.mulf %select_n3A_647, %mul3A_650 : vector<784x128xf32>
    %add3A_652 = arith.addf %add3A_628, %mul3A_651 : vector<784x128xf32>
    %get3A_653 = arith.constant 27 : index
    %get3A_654 = memref.load %arg2[%get3A_653] : memref<130xf32, #tpu.memory_space<smem>>
    %mul3A_655 = vector.broadcast %get3A_654 : f32 to vector<784x128xf32>
    %mul3A_656 = arith.mulf %get3A_1, %mul3A_655 : vector<784x128xf32>
    %get3A_657 = arith.constant 59 : index
    %get3A_658 = memref.load %arg2[%get3A_657] : memref<130xf32, #tpu.memory_space<smem>>
    %mul3A_659 = vector.broadcast %get3A_658 : f32 to vector<784x128xf32>
    %mul3A_660 = arith.mulf %get3A_4, %mul3A_659 : vector<784x128xf32>
    %add3A_661 = arith.addf %mul3A_656, %mul3A_660 : vector<784x128xf32>
    %get3A_662 = arith.constant 91 : index
    %get3A_663 = memref.load %arg2[%get3A_662] : memref<130xf32, #tpu.memory_space<smem>>
    %add3A_664 = vector.broadcast %get3A_663 : f32 to vector<784x128xf32>
    %add3A_665 = arith.addf %add3A_661, %add3A_664 : vector<784x128xf32>
    %gt3A_666 = arith.constant 0.000000e+00 : f32
    %gt3A_667 = vector.broadcast %gt3A_666 : f32 to vector<784x128xf32>
    %gt3A_668 = arith.cmpf ogt, %add3A_665, %gt3A_667 : vector<784x128xf32>
    %mul3A_669 = vector.broadcast %get3A_6 : f32 to vector<784x128xf32>
    %mul3A_670 = arith.mulf %mul3A_669, %add3A_665 : vector<784x128xf32>
    %select_n3A_671 = arith.select %gt3A_668, %add3A_665, %mul3A_670 : vector<784x128xi1>, vector<784x128xf32>
    %get3A_672 = arith.constant 123 : index
    %get3A_673 = memref.load %arg2[%get3A_672] : memref<130xf32, #tpu.memory_space<smem>>
    %mul3A_674 = vector.broadcast %get3A_673 : f32 to vector<784x128xf32>
    %mul3A_675 = arith.mulf %select_n3A_671, %mul3A_674 : vector<784x128xf32>
    %add3A_676 = arith.addf %add3A_652, %mul3A_675 : vector<784x128xf32>
    %get3A_677 = arith.constant 28 : index
    %get3A_678 = memref.load %arg2[%get3A_677] : memref<130xf32, #tpu.memory_space<smem>>
    %mul3A_679 = vector.broadcast %get3A_678 : f32 to vector<784x128xf32>
    %mul3A_680 = arith.mulf %get3A_1, %mul3A_679 : vector<784x128xf32>
    %get3A_681 = arith.constant 60 : index
    %get3A_682 = memref.load %arg2[%get3A_681] : memref<130xf32, #tpu.memory_space<smem>>
    %mul3A_683 = vector.broadcast %get3A_682 : f32 to vector<784x128xf32>
    %mul3A_684 = arith.mulf %get3A_4, %mul3A_683 : vector<784x128xf32>
    %add3A_685 = arith.addf %mul3A_680, %mul3A_684 : vector<784x128xf32>
    %get3A_686 = arith.constant 92 : index
    %get3A_687 = memref.load %arg2[%get3A_686] : memref<130xf32, #tpu.memory_space<smem>>
    %add3A_688 = vector.broadcast %get3A_687 : f32 to vector<784x128xf32>
    %add3A_689 = arith.addf %add3A_685, %add3A_688 : vector<784x128xf32>
    %gt3A_690 = arith.constant 0.000000e+00 : f32
    %gt3A_691 = vector.broadcast %gt3A_690 : f32 to vector<784x128xf32>
    %gt3A_692 = arith.cmpf ogt, %add3A_689, %gt3A_691 : vector<784x128xf32>
    %mul3A_693 = vector.broadcast %get3A_6 : f32 to vector<784x128xf32>
    %mul3A_694 = arith.mulf %mul3A_693, %add3A_689 : vector<784x128xf32>
    %select_n3A_695 = arith.select %gt3A_692, %add3A_689, %mul3A_694 : vector<784x128xi1>, vector<784x128xf32>
    %get3A_696 = arith.constant 124 : index
    %get3A_697 = memref.load %arg2[%get3A_696] : memref<130xf32, #tpu.memory_space<smem>>
    %mul3A_698 = vector.broadcast %get3A_697 : f32 to vector<784x128xf32>
    %mul3A_699 = arith.mulf %select_n3A_695, %mul3A_698 : vector<784x128xf32>
    %add3A_700 = arith.addf %add3A_676, %mul3A_699 : vector<784x128xf32>
    %get3A_701 = arith.constant 29 : index
    %get3A_702 = memref.load %arg2[%get3A_701] : memref<130xf32, #tpu.memory_space<smem>>
    %mul3A_703 = vector.broadcast %get3A_702 : f32 to vector<784x128xf32>
    %mul3A_704 = arith.mulf %get3A_1, %mul3A_703 : vector<784x128xf32>
    %get3A_705 = arith.constant 61 : index
    %get3A_706 = memref.load %arg2[%get3A_705] : memref<130xf32, #tpu.memory_space<smem>>
    %mul3A_707 = vector.broadcast %get3A_706 : f32 to vector<784x128xf32>
    %mul3A_708 = arith.mulf %get3A_4, %mul3A_707 : vector<784x128xf32>
    %add3A_709 = arith.addf %mul3A_704, %mul3A_708 : vector<784x128xf32>
    %get3A_710 = arith.constant 93 : index
    %get3A_711 = memref.load %arg2[%get3A_710] : memref<130xf32, #tpu.memory_space<smem>>
    %add3A_712 = vector.broadcast %get3A_711 : f32 to vector<784x128xf32>
    %add3A_713 = arith.addf %add3A_709, %add3A_712 : vector<784x128xf32>
    %gt3A_714 = arith.constant 0.000000e+00 : f32
    %gt3A_715 = vector.broadcast %gt3A_714 : f32 to vector<784x128xf32>
    %gt3A_716 = arith.cmpf ogt, %add3A_713, %gt3A_715 : vector<784x128xf32>
    %mul3A_717 = vector.broadcast %get3A_6 : f32 to vector<784x128xf32>
    %mul3A_718 = arith.mulf %mul3A_717, %add3A_713 : vector<784x128xf32>
    %select_n3A_719 = arith.select %gt3A_716, %add3A_713, %mul3A_718 : vector<784x128xi1>, vector<784x128xf32>
    %get3A_720 = arith.constant 125 : index
    %get3A_721 = memref.load %arg2[%get3A_720] : memref<130xf32, #tpu.memory_space<smem>>
    %mul3A_722 = vector.broadcast %get3A_721 : f32 to vector<784x128xf32>
    %mul3A_723 = arith.mulf %select_n3A_719, %mul3A_722 : vector<784x128xf32>
    %add3A_724 = arith.addf %add3A_700, %mul3A_723 : vector<784x128xf32>
    %get3A_725 = arith.constant 30 : index
    %get3A_726 = memref.load %arg2[%get3A_725] : memref<130xf32, #tpu.memory_space<smem>>
    %mul3A_727 = vector.broadcast %get3A_726 : f32 to vector<784x128xf32>
    %mul3A_728 = arith.mulf %get3A_1, %mul3A_727 : vector<784x128xf32>
    %get3A_729 = arith.constant 62 : index
    %get3A_730 = memref.load %arg2[%get3A_729] : memref<130xf32, #tpu.memory_space<smem>>
    %mul3A_731 = vector.broadcast %get3A_730 : f32 to vector<784x128xf32>
    %mul3A_732 = arith.mulf %get3A_4, %mul3A_731 : vector<784x128xf32>
    %add3A_733 = arith.addf %mul3A_728, %mul3A_732 : vector<784x128xf32>
    %get3A_734 = arith.constant 94 : index
    %get3A_735 = memref.load %arg2[%get3A_734] : memref<130xf32, #tpu.memory_space<smem>>
    %add3A_736 = vector.broadcast %get3A_735 : f32 to vector<784x128xf32>
    %add3A_737 = arith.addf %add3A_733, %add3A_736 : vector<784x128xf32>
    %gt3A_738 = arith.constant 0.000000e+00 : f32
    %gt3A_739 = vector.broadcast %gt3A_738 : f32 to vector<784x128xf32>
    %gt3A_740 = arith.cmpf ogt, %add3A_737, %gt3A_739 : vector<784x128xf32>
    %mul3A_741 = vector.broadcast %get3A_6 : f32 to vector<784x128xf32>
    %mul3A_742 = arith.mulf %mul3A_741, %add3A_737 : vector<784x128xf32>
    %select_n3A_743 = arith.select %gt3A_740, %add3A_737, %mul3A_742 : vector<784x128xi1>, vector<784x128xf32>
    %get3A_744 = arith.constant 126 : index
    %get3A_745 = memref.load %arg2[%get3A_744] : memref<130xf32, #tpu.memory_space<smem>>
    %mul3A_746 = vector.broadcast %get3A_745 : f32 to vector<784x128xf32>
    %mul3A_747 = arith.mulf %select_n3A_743, %mul3A_746 : vector<784x128xf32>
    %add3A_748 = arith.addf %add3A_724, %mul3A_747 : vector<784x128xf32>
    %get3A_749 = arith.constant 31 : index
    %get3A_750 = memref.load %arg2[%get3A_749] : memref<130xf32, #tpu.memory_space<smem>>
    %mul3A_751 = vector.broadcast %get3A_750 : f32 to vector<784x128xf32>
    %mul3A_752 = arith.mulf %get3A_1, %mul3A_751 : vector<784x128xf32>
    %get3A_753 = arith.constant 63 : index
    %get3A_754 = memref.load %arg2[%get3A_753] : memref<130xf32, #tpu.memory_space<smem>>
    %mul3A_755 = vector.broadcast %get3A_754 : f32 to vector<784x128xf32>
    %mul3A_756 = arith.mulf %get3A_4, %mul3A_755 : vector<784x128xf32>
    %add3A_757 = arith.addf %mul3A_752, %mul3A_756 : vector<784x128xf32>
    %get3A_758 = arith.constant 95 : index
    %get3A_759 = memref.load %arg2[%get3A_758] : memref<130xf32, #tpu.memory_space<smem>>
    %add3A_760 = vector.broadcast %get3A_759 : f32 to vector<784x128xf32>
    %add3A_761 = arith.addf %add3A_757, %add3A_760 : vector<784x128xf32>
    %gt3A_762 = arith.constant 0.000000e+00 : f32
    %gt3A_763 = vector.broadcast %gt3A_762 : f32 to vector<784x128xf32>
    %gt3A_764 = arith.cmpf ogt, %add3A_761, %gt3A_763 : vector<784x128xf32>
    %mul3A_765 = vector.broadcast %get3A_6 : f32 to vector<784x128xf32>
    %mul3A_766 = arith.mulf %mul3A_765, %add3A_761 : vector<784x128xf32>
    %select_n3A_767 = arith.select %gt3A_764, %add3A_761, %mul3A_766 : vector<784x128xi1>, vector<784x128xf32>
    %get3A_768 = arith.constant 127 : index
    %get3A_769 = memref.load %arg2[%get3A_768] : memref<130xf32, #tpu.memory_space<smem>>
    %mul3A_770 = vector.broadcast %get3A_769 : f32 to vector<784x128xf32>
    %mul3A_771 = arith.mulf %select_n3A_767, %mul3A_770 : vector<784x128xf32>
    %add3A_772 = arith.addf %add3A_748, %mul3A_771 : vector<784x128xf32>
    %swap3A = arith.constant 0 : index
    %swap3A_773 = arith.constant 0 : index
    %swap3A_774 = vector.load %arg3[%swap3A, %swap3A_773] : memref<784x128xf32, #tpu.memory_space<vmem>>, vector<784x128xf32>
    tpu.vector_store %arg3[%swap3A, %swap3A_773], %add3A_772 {strides = array<i32>} : memref<784x128xf32, #tpu.memory_space<vmem>>, vector<784x128xf32>,
    return
  }
}

module attributes {stable_mosaic.version = 14 : i64} {
  func.func @_dp_body(%arg0: memref<2x784x128xf32, #tpu.memory_space<vmem>>, %arg1: memref<784x128xf32, #tpu.memory_space<vmem>>, %arg2: memref<784x128xf32, #tpu.memory_space<vmem>>, %arg3: memref<784x128xf32, #tpu.memory_space<vmem>>) attributes {dimension_semantics = [], scalar_prefetch = 0 : i64, scratch_operands = 0 : i64, tpu.core_type = #tpu.core_type<tc>} {
    %get3A = arith.constant 0 : index
    %get3A_0 = arith.constant 0 : index
    %get3A_1 = arith.constant 0 : index
    %get3A_2 = vector.load %arg0[%get3A, %get3A_0, %get3A_1] : memref<2x784x128xf32, #tpu.memory_space<vmem>>, vector<1x784x128xf32>
    %get3A_3 = vector.shape_cast %get3A_2 : vector<1x784x128xf32> to vector<784x128xf32>
    %get3A_4 = arith.constant 1 : index
    %get3A_5 = arith.constant 0 : index
    %get3A_6 = arith.constant 0 : index
    %get3A_7 = vector.load %arg0[%get3A_4, %get3A_5, %get3A_6] : memref<2x784x128xf32, #tpu.memory_space<vmem>>, vector<1x784x128xf32>
    %get3A_8 = vector.shape_cast %get3A_7 : vector<1x784x128xf32> to vector<784x128xf32>
    %add3A = arith.addf %get3A_3, %get3A_8 : vector<784x128xf32>
    %add3A_9 = arith.constant 1.000000e+00 : f32
    %add3A_10 = vector.broadcast %add3A_9 : f32 to vector<784x128xf32>
    %add3A_11 = arith.addf %add3A, %add3A_10 : vector<784x128xf32>
    %rsqrt3A = math.rsqrt %add3A_11 : vector<784x128xf32>
    %mul3A = arith.constant 5.000000e-01 : f32
    %mul3A_12 = vector.broadcast %mul3A : f32 to vector<784x128xf32>
    %mul3A_13 = arith.mulf %mul3A_12, %add3A_11 : vector<784x128xf32>
    %mul3A_14 = arith.mulf %mul3A_13, %rsqrt3A : vector<784x128xf32>
    %mul3A_15 = arith.mulf %mul3A_14, %rsqrt3A : vector<784x128xf32>
    %sub3A = arith.constant 1.500000e+00 : f32
    %sub3A_16 = vector.broadcast %sub3A : f32 to vector<784x128xf32>
    %sub3A_17 = arith.subf %sub3A_16, %mul3A_15 : vector<784x128xf32>
    %mul3A_18 = arith.mulf %rsqrt3A, %sub3A_17 : vector<784x128xf32>
    %swap3A = arith.constant 0 : index
    %swap3A_19 = arith.constant 0 : index
    %swap3A_20 = vector.load %arg3[%swap3A, %swap3A_19] : memref<784x128xf32, #tpu.memory_space<vmem>>, vector<784x128xf32>
    tpu.vector_store %arg3[%swap3A, %swap3A_19], %mul3A_18 {strides = array<i32>} : memref<784x128xf32, #tpu.memory_space<vmem>>, vector<784x128xf32>,
    %get3A_21 = arith.constant 0 : index
    %get3A_22 = arith.constant 0 : index
    %get3A_23 = vector.load %arg1[%get3A_21, %get3A_22] : memref<784x128xf32, #tpu.memory_space<vmem>>, vector<784x128xf32>
    %mul3A_24 = arith.mulf %get3A_23, %mul3A_18 : vector<784x128xf32>
    %swap3A_25 = arith.constant 0 : index
    %swap3A_26 = arith.constant 0 : index
    %swap3A_27 = vector.load %arg2[%swap3A_25, %swap3A_26] : memref<784x128xf32, #tpu.memory_space<vmem>>, vector<784x128xf32>
    tpu.vector_store %arg2[%swap3A_25, %swap3A_26], %mul3A_24 {strides = array<i32>} : memref<784x128xf32, #tpu.memory_space<vmem>>, vector<784x128xf32>,
    return
  }
}

module attributes {stable_mosaic.version = 14 : i64} {
  func.func @_fin_body(%arg0: memref<2x784x128xf32, #tpu.memory_space<vmem>>, %arg1: memref<784x128xf32, #tpu.memory_space<vmem>>, %arg2: memref<784x128xf32, #tpu.memory_space<vmem>>, %arg3: memref<1xf32, #tpu.memory_space<smem>>, %arg4: memref<784x128xf32, #tpu.memory_space<vmem>>) attributes {dimension_semantics = [], scalar_prefetch = 0 : i64, scratch_operands = 0 : i64, tpu.core_type = #tpu.core_type<tc>} {
    %get3A = arith.constant 0 : index
    %get3A_0 = arith.constant 0 : index
    %get3A_1 = vector.load %arg2[%get3A, %get3A_0] : memref<784x128xf32, #tpu.memory_space<vmem>>, vector<784x128xf32>
    %get3A_2 = arith.constant 0 : index
    %get3A_3 = arith.constant 0 : index
    %get3A_4 = arith.constant 0 : index
    %get3A_5 = vector.load %arg0[%get3A_2, %get3A_3, %get3A_4] : memref<2x784x128xf32, #tpu.memory_space<vmem>>, vector<1x784x128xf32>
    %get3A_6 = vector.shape_cast %get3A_5 : vector<1x784x128xf32> to vector<784x128xf32>
    %get3A_7 = arith.constant 1 : index
    %get3A_8 = arith.constant 0 : index
    %get3A_9 = arith.constant 0 : index
    %get3A_10 = vector.load %arg0[%get3A_7, %get3A_8, %get3A_9] : memref<2x784x128xf32, #tpu.memory_space<vmem>>, vector<1x784x128xf32>
    %get3A_11 = vector.shape_cast %get3A_10 : vector<1x784x128xf32> to vector<784x128xf32>
    %add3A = arith.addf %get3A_6, %get3A_11 : vector<784x128xf32>
    %get3A_12 = arith.constant 0 : index
    %get3A_13 = arith.constant 0 : index
    %get3A_14 = vector.load %arg1[%get3A_12, %get3A_13] : memref<784x128xf32, #tpu.memory_space<vmem>>, vector<784x128xf32>
    %add3A_15 = arith.addf %add3A, %get3A_14 : vector<784x128xf32>
    %mul3A = arith.mulf %get3A_1, %add3A_15 : vector<784x128xf32>
    %get3A_16 = arith.constant 0 : index
    %get3A_17 = memref.load %arg3[%get3A_16] : memref<1xf32, #tpu.memory_space<smem>>
    %add3A_18 = vector.broadcast %get3A_17 : f32 to vector<784x128xf32>
    %add3A_19 = arith.addf %mul3A, %add3A_18 : vector<784x128xf32>
    %swap3A = arith.constant 0 : index
    %swap3A_20 = arith.constant 0 : index
    %swap3A_21 = vector.load %arg4[%swap3A, %swap3A_20] : memref<784x128xf32, #tpu.memory_space<vmem>>, vector<784x128xf32>
    tpu.vector_store %arg4[%swap3A, %swap3A_20], %add3A_19 {strides = array<i32>} : memref<784x128xf32, #tpu.memory_space<vmem>>, vector<784x128xf32>,
    return
  }
}

</mosaic_0001>

<sc_bundles>
// kernel: kernel.10.cloned.1.call-start
scs
__scs_entry_jumppad:
0x0: {  	(pc) =	sbr.rel $0x88, $3  }
0x1: {  	(tag) =	ssettag $0x0;
	lr =	simm.s32 $0x1  }
0x2: {  	[smem:$0x3F94] =	sst lr;
	_ =	strace $0xD0000000  }
0x3: {  	_ = 	snop  }
0x4: {  	_ = 	snop  }
0x5: {  	_ = 	snop  }
0x6: {  	_ = 	snop  }
0x7: {  	_ = 	snop  }
__scs_overlays_trampoline_lowered:
0x8: {  	[smem:$0x3FA3] =	sst s0  }
0x9: {  	[smem:$0x3FA4] =	sst s1  }
0xa: {  	[smem:$0x3FA5] =	sst s2  }
0xb: {  	[smem:$0x3FA6] =	sst s3  }
0xc: {  	[smem:$0x3FA7] =	sst s4  }
0xd: {  	[smem:$0x3FA8] =	sst s5  }
0xe: {  	[smem:$0x3FA9] =	sst s6  }
0xf: {  	[smem:$0x3FAA] =	sst s7  }
0x10: {  	[smem:$0x3FAB] =	sst s8  }
0x11: {  	[smem:$0x3FAC] =	sst s9;
	s0 =	simm.s32 @!p0 $0x0  }
0x12: {  	s1 =	sld [smem:$0x3F92];
	s0 =	simm.s32 @p0 $0x1  }
0x13: {  	[smem:$0x3FAD] =	sst s0;
	s0 =	simm.s32 @!p1 $0x0  }
0x14: {  	s2 =	sld [smem:$0x3F91];
	s0 =	simm.s32 @p1 $0x1  }
0x15: {  	[smem:$0x3FAE] =	sst s0;
	s0 =	simm.s32 @!p2 $0x0  }
0x16: {  	s3 =	sld [smem:$0x3FDB];
	s0 =	simm.s32 @p2 $0x1  }
0x17: {  	s4 =	simm.s32 $0x1BF5;
	[smem:$0x3FB0] =	sst s0  }
0x18: {  	s0 =	sld [smem:$0x3F93];
	_ =	swait.ge [sflag:s4], $0x0  }
0x19: {  	s7 =	sld [smem:$0x3F94]  }
0x1a: {  	s8 =	sadd.s32 $0xFFFFE003, lr  }
0x1b: {  	s9 =	sadd.s32 $0xFFFFFEF7, lr;
	s5 =	simm.s32 $0xFFFFFFFF;
	p2 =	slt.u32 s8, $0xFFFFF086  }
0x1c: {  	p1 =	slt.u32 s9, $0xF7A;
	s5 =	simm.s32 @!p2 $0x0  }
0x1d: {  	s5 =	simm.s32 @p1 $0x1;
	p0 =	seq.s32 s7, s2  }
0x1e: {  	s7 =	smul.u32 @!p0 $0xF7A, s2;
	p2 =	seq.s32 @!p0 s5, $0x0  }
0x1f: {  	s9 =	smul.u32 $0xF7A, s1;
	s8 =	simm.s32 @!p0 $0x1BF5;
	p2 =	por !p2, p0  }
0x20: {  	[sflag:s8] =	ssyncset.s32 @!p0 $0xFFFFF086;
	s6 =	sadd.s32 @!p0 s3, s7;
	s7 =	simm.s32 @!p0 $0x108  }
0x21: {  	s3 =	sadd.s32 s3, s9;
	s6 =	sadd.s32 @!p0 $0x88, s6;
	s7 =	simm.s32 @p2 $0x1082  }
0x22: {  	[simem:s7], [sflag:s8] =	dma.local @!p0 [hbm:s6], $0xF7A  }
0x23: {  	s9 =	sor.u32 $0xD0000000, s2;
	s6 =	simm.s32 $0x108;
	_ =	swait.ge @!p0 [sflag:s8], $0x0  }
0x24: {  	s3 =	sadd.s32 $0x88, s3;
	s6 =	simm.s32 @!p1 $0x1082;
	[sflag:s4] =	ssyncset.s32 $0xFFFFF086  }
0x25: {  	[simem:s6], [sflag:s4] =	dma.local [hbm:s3], $0xF7A  }
0x26: {  	[smem:$0x3F94] =	sst s1;
	(tag) =	ssettag s2;
	_ =	strace s9  }
0x27: {  	s1 =	sld [smem:$0x3FA4]  }
0x28: {  	s2 =	sld [smem:$0x3FA5]  }
0x29: {  	s4 =	sld [smem:$0x3FA7]  }
0x2a: {  	p0 =	seq.s32 s5, $0x0;
	s5 =	sld [smem:$0x3FA8]  }
0x2b: {  	s6 =	sld [smem:$0x3FA9]  }
0x2c: {  	s7 =	sld [smem:$0x3FAA]  }
0x2d: {  	s3 =	simm.s32 $0x108;
	s8 =	sld [smem:$0x3FAB]  }
0x2e: {  	s3 =	simm.s32 @!p0 $0x1082;
	s9 =	sld [smem:$0x3FAC]  }
0x2f: {  	lr =	sadd.s32 s0, s3;
	s0 =	sld [smem:$0x3FA3]  }
0x30: {  	s3 =	sld [smem:$0x3FA6]  }
0x31: {  	[smem:$0x3FAF] =	sst s10  }
0x32: {  	s10 =	sld [smem:$0x3FAD];
	_ =	sdelay $0x3  }
0x33: {  	p0 =	seq.s32 s10, $0x1;
	s10 =	sld [smem:$0x3FAF];
	_ =	sdelay $0x3  }
0x34: {  	[smem:$0x3FAF] =	sst s10  }
0x35: {  	s10 =	sld [smem:$0x3FAE];
	_ =	sdelay $0x3  }
0x36: {  	p1 =	seq.s32 s10, $0x1;
	s10 =	sld [smem:$0x3FAF];
	_ =	sdelay $0x3  }
0x37: {  	[smem:$0x3FAF] =	sst s10  }
0x38: {  	s10 =	sld [smem:$0x3FB0]  }
0x39: {  	_ = 	snop;
	(pc) =	sbr.ind lr, $3  }
0x3a: {  	_ = 	snop  }
0x3b: {  	_ = 	snop  }
0x3c: {  	p2 =	seq.s32 s10, $0x1;
	s10 =	sld [smem:$0x3FAF]  }
0x3d: {  	_ =	shalt  }
0x3e: {  	_ =	shalt  }
0x3f: {  	_ =	shalt  }
0x40: {  	_ =	shalt  }
0x41: {  	_ =	shalt  }
0x42: {  	_ =	shalt  }
0x43: {  	_ =	shalt  }
0x44: {  	_ =	shalt  }
0x45: {  	_ =	shalt  }
0x46: {  	_ =	shalt  }
0x47: {  	_ =	shalt  }
0x48: {  	_ =	shalt  }
0x49: {  	_ =	shalt  }
0x4a: {  	_ =	shalt  }
0x4b: {  	_ =	shalt  }
0x4c: {  	_ =	shalt  }
0x4d: {  	_ =	shalt  }
0x4e: {  	_ =	shalt  }
0x4f: {  	_ =	shalt  }
0x50: {  	_ =	shalt  }
0x51: {  	_ =	shalt  }
0x52: {  	_ =	shalt  }
0x53: {  	_ =	shalt  }
0x54: {  	_ =	shalt  }
0x55: {  	_ =	shalt  }
0x56: {  	_ =	shalt  }
0x57: {  	_ =	shalt  }
0x58: {  	_ =	shalt  }
0x59: {  	_ =	shalt  }
0x5a: {  	_ =	shalt  }
0x5b: {  	_ =	shalt  }
0x5c: {  	_ =	shalt  }
0x5d: {  	_ =	shalt  }
0x5e: {  	_ =	shalt  }
0x5f: {  	_ =	shalt  }
0x60: {  	_ =	shalt  }
0x61: {  	_ =	shalt  }
0x62: {  	_ =	shalt  }
0x63: {  	_ =	shalt  }
0x64: {  	_ =	shalt  }
0x65: {  	_ =	shalt  }
0x66: {  	_ =	shalt  }
0x67: {  	_ =	shalt  }
0x68: {  	_ =	shalt  }
0x69: {  	_ =	shalt  }
0x6a: {  	_ =	shalt  }
0x6b: {  	_ =	shalt  }
0x6c: {  	_ =	shalt  }
0x6d: {  	_ =	shalt  }
0x6e: {  	_ =	shalt  }
0x6f: {  	_ =	shalt  }
0x70: {  	_ =	shalt  }
0x71: {  	_ =	shalt  }
0x72: {  	_ =	shalt  }
0x73: {  	_ =	shalt  }
0x74: {  	_ =	shalt  }
0x75: {  	_ =	shalt  }
0x76: {  	_ =	shalt  }
0x77: {  	_ =	shalt  }
0x78: {  	_ =	shalt  }
0x79: {  	_ =	shalt  }
0x7a: {  	_ =	shalt  }
0x7b: {  	_ =	shalt  }
0x7c: {  	_ =	shalt  }
0x7d: {  	_ =	shalt  }
0x7e: {  	_ =	shalt  }
0x7f: {  	_ =	shalt  }
0x80: {  	_ =	shalt  }
0x81: {  	_ =	shalt  }
0x82: {  	_ =	shalt  }
0x83: {  	_ =	shalt  }
0x84: {  	_ =	shalt  }
0x85: {  	_ =	shalt  }
0x86: {  	_ =	shalt  }
0x87: {  	_ =	shalt  }
.Lfunc_end0:
.L_simem_size_0:
called_computation.1_lowered:
.L_overlay_start_0:
0x88: {  	s2 =	sld [smem:$0x3FD9]  }
0x89: {  	s3 =	sld [smem:$0x3FFE];
	_ =	sdelay $0x1  }
0x8a: {  	s1 =	srdreg.scid  }
0x8b: {  	s0 =	sand.u32 $0x1, s1  }
0x8c: {  	s17 =	sshll.u32 s0, $0xA;
	s2 =	sadd.s32 s3, s2  }
0x8d: {  	s2 =	sadd.s32 s2, s17  }
0x8e: {  	[smem:$0x3FBB] =	sst s2  }
0x8f: {  	_ = 	snop  }
0x90: {  	s2 =	sld [smem:$0x3FD0];
	(tm) =	ssettm $0x1  }
0x91: {  	s18 =	sld [smem:$0x3FFB];
	_ =	sdelay $0x3  }
0x92: {  	_ =	strace s18  }
0x93: {  	s3 =	sld [smem:$0x3FFC];
	_ =	sdelay $0x3  }
0x94: {  	_ =	strace s3  }
0x95: {  	s3 =	sld [smem:$0x3FFD];
	_ =	sdelay $0x3  }
0x96: {  	_ =	strace s3  }
0x97: {  	_ =	strace $0x8FFFFFFF  }
0x98: {  	s19 =	sld [smem:$0x3FDB];
	_ =	sdelay $0x1  }
0x99: {  	s4 =	simm.s32 $_scs_section_size  }
0x9a: {  	s5 =	simm.s32 $_size__tile_overlayer_lowered;
	s6 =	simm.s32 $_tile_overlayer_lowered  }
0x9b: {  	s22 =	simm.s32 $0x1BFF;
	s21 =	sshll.u32 s6, $0x1;
	s3 =	sadd.s32 s4, s19  }
0x9c: {  	s7 =	simm.s32 $0x0;
	s20 =	sshll.u32 s5, $0x1;
	s5 =	sadd.s32 s21, s3  }
0x9d: {  	[timem:s7], [sflag:s22] =	dma.local [hbm:s5], s20  }
0x9e: {  	_ =	swait.ge [sflag:s22], s20  }
0x9f: {  	s4 =	ssub.s32 $0x0, s20;
	[sflag:s22] =	ssyncset.done $0x0  }
0xa0: {  	[sflag:s22] =	ssyncadd.s32 s4;
	_ =	sdelay $0x1  }
0xa1: {  	s23 =	simm.s32 $0x1B8B  }
0xa2: {  	_ =	swait.ge [sflag:s23], $0x1  }
0xa3: {  	[sflag:s23] =	ssyncset.done $0x0  }
0xa4: {  	s25 =	simm.s32 $0x1B8E;
	s24 =	sld [smem:$0x3FFE];
	[sflag:s23] =	ssyncadd.s32 $0xFFFFFFFF  }
0xa5: {  	s26 =	simm.s32 $execute0_lowered;
	[smem:$0x3FD2] =	sst s25  }
0xa6: {  	s5 =	sshll.u32 s26, $0x1;
	_ =	strace $0x80000049;
	[dreg:$0x1] =	wrdreg $0xFFFFFFFF  }
0xa7: {  	s28 =	simm.s32 $_size_execute0_lowered;
	s3 =	sadd.s32 s3, s5;
	[dreg:$0x0] =	wrdreg $0x0  }
0xa8: {  	s5 =	sshll.u32 s28, $0x1;
	[dreg:$0x2] =	wrdreg s3  }
0xa9: {  	[dreg:$0x3] =	wrdreg s5  }
0xaa: {  	[dreg:$0x4] =	wrdreg $0xC0  }
0xab: {  	_ =	task [dreg:s7], $0x5FFFF  }
0xac: {  	[dreg:$0x1] =	wrdreg $0xFFFFFFFF  }
0xad: {  	[dreg:$0x0] =	wrdreg $0x60  }
0xae: {  	[dreg:$0x2] =	wrdreg s24  }
0xaf: {  	[dreg:$0x3] =	wrdreg s2  }
0xb0: {  	[dreg:$0x4] =	wrdreg $0xF6800  }
0xb1: {  	[dreg:$0x5] =	wrdreg $0xDE000  }
0xb2: {  	[dreg:$0x6] =	wrdreg $0x9  }
0xb3: {  	_ =	task.clear_ibuf [dreg:s7], $0x7FFFF;
	_ =	strace $0x90000049  }
0xb4: {  	s29 =	simm.s32 $0x9;
	_ =	strace $0x8000004B  }
0xb5: {  	_ =	swait.ge [sflag:s29], $0x1  }
0xb6: {  	[sflag:s29] =	ssyncadd.s32 $0xFFFFFFFF  }
0xb7: {  	_ =	strace $0x9000004B  }
0xb8: {  	_ =	sfence  }
0xb9: {  	s30 =	sld [smem:$0x0];
	_ =	sdelay $0x2  }
0xba: {  	s31 =	sshll.u32 s1, $0xD;
	s1 =	sshrl.u32 s1, $0x2  }
0xbb: {  	s3 =	sand.u32 $0x4000, s31;
	s1 =	sadd.s32 s1, s30  }
0xbc: {  	s0 =	sor.u32 s3, s0;
	s1 =	sshll.u32 s1, $0x11  }
0xbd: {  	s0 =	sor.u32 s1, s0  }
0xbe: {  	s0 =	sadd.s32 $0x8F2B, s0  }
0xbf: {  	[sflag:s0] =	ssyncadd.remote.s32 $0x1  }
0xc0: {  	_ =	sfence.sel $0xFFFF  }
0xc1: {  	[dreg:$0x0] =	wrdreg $0xFFFFFFFF;
	(pc) =	sbr.abs _section_cstart, $3  }
0xc2: {  	[dreg:$0x1] =	wrdreg $0xFFFFFFFF  }
0xc3: {  	_ =	task.clear_ibuf [dreg:s7], $0x2FFFF;
	_ =	strace $0x9FFFFFFF  }
0xc4: {  	(tm) =	ssettm $0x7FFFFFFF  }
0xc5: {  	_ =	shalt  }
tec
execute0_lowered:
.L_overlay_start_1:
0x0: {  	(tag) =	ssettag $0x1  }
0x1: {  	s0 =	rddreg [dreg:$0x0]  }
0x2: {  	s2 =	rddreg [dreg:$0x1]  }
0x3: {  	s1 =	rddreg [dreg:$0x2]  }
0x4: {  	s3 =	rddreg [dreg:$0x3];
	s4 =	simm.s32 $0x0  }
0x5: {  	s5 =	srdreg.scid;
	s8 =	stileid.u32;
	s20 =	simm.s32 $0xC580  }
0x6: {  	s21 =	simm.s32 $0x3;
	s22 =	simm.s32 $0x4F00;
	s23 =	simm.s32 $0x1  }
0x7: {  	s28 =	simm.s32 $0x9E00;
	s29 =	simm.s32 $0x2;
	s31 =	simm.s32 $0x100  }
0x8: {  	[smem:$0x7FF] =	sst s4;
	s5 =	sand.u32 $0x1, s5;
	s6 =	smul.u32 $0x3100, s8  }
0x9: {  	s16 =	sadd.s32 $0x7A00, s0;
	s17 =	sadd.s32 $0x38800, s0;
	_ =	strace $0x8000004A  }
0xa: {  	s7 =	sshll.u32 s5, $0x7;
	s24 =	sshll.u32 s5, $0x4;
	s5 =	ssub.s32 $0x2, s5  }
0xb: {  	s6 =	sor.u32 s7, s6;
	s7 =	sor.u32 s8, s24;
	s8 =	smul.u32 $0x1880, s8  }
0xc: {  	s9 =	sshrl.u32 s5, $0x1;
	s24 =	simm.s32 $0x2780;
	s6 =	sshrl.u32 s6, $0x3  }
0xd: {  	s7 =	smul.u32 $0xC350, s7;
	s19 =	ssub.s32 s5, s9;
	s0 =	sadd.s32 s6, s0  }
0xe: {  	s5 =	sadd.s32 s8, s1;
	s25 =	sshrl.u32 s8, $0x3;
	s19 =	smax.u32 s19, $0x1  }
0xf: {  	s14 =	sshrl.u32 s7, $0x3;
	s6 =	sadd.s32 s2, s25;
	s7 =	sadd.s32 s8, s3  }
0x10: {  	s25 =	simm.s32 $0x7680;
	s8 =	sadd.s32 s16, s14;
	s9 =	sadd.s32 s17, s14  }
0x11: {  	s26 =	sadd.s32 $0x4E2, s14;
	s13 =	sadd.s32 $0x9C4, s14;
	s30 =	sadd.s32 $0xEA6, s14  }
0x12: {  	s18 =	sadd.s32 $0x1388, s14;
	s10 =	sadd.s32 s16, s26;
	s11 =	sadd.s32 s17, s26  }
0x13: {  	s12 =	sadd.s32 s16, s13;
	s13 =	sadd.s32 s17, s13;
	s14 =	sadd.s32 s16, s30  }
0x14: {  	s15 =	sadd.s32 s17, s30;
	s16 =	sadd.s32 s16, s18;
	s17 =	sadd.s32 s17, s18  }
0x15: {  	v0 =	vimm.f32 $0.0e+00;
	s18 =	sadd.s32 $0x1800, s0;
	s26 =	simm.s32 $0x2710;
	s0 =	simm.s32 $0x0  }
.LBB2_1:
0x16: {  	s2 =	simm.s32 $0x40;
	s30 =	simm.s32 $0x0  }
.LBB2_2:
0x17: {  	p0 =	sne.s32 s2, $0x61C0;
	[tilespmem:s30+$0xC580] =	vst v0;
	s30 =	smov.u32 s2;
	s2 =	sadd.s32 $0x40, s2  }
.Ltmp0:
0x18: {  	(pc) =	sbr.rel @p0 .LBB2_2-.Ltmp0, $2  }
0x19: {  	_ =	sdelay $0x2  }
0x1a: {  	s30 =	sshra.s32 s30, $0x2  }
0x1b: {  	[tilespmem:s30+$0xC580] =	vst v0  }
0x1c: {  	[spmem:s5] =	stream.linear.scatter [tilespmem:s20], [sflag:$0x3], $0x1880, $0x38;
	[tilespmem:$0x10F00] =	vst v63  }
0x1d: {  	_ =	swait.ge [sflag:s21], $0x1880  }
0x1e: {  	[sflag:s21] =	ssyncset.done $0x0  }
0x1f: {  	[sflag:s21] =	ssyncadd.s32 $0xFFFFE780  }
0x20: {  	[tilespmem:s20], [sflag:$0x3] =	stream.linear.gather [hbm4b:s6+s4], $0x1880, $0x38;
	[tilespmem:$0x10F00] =	vst v63  }
0x21: {  	_ =	swait.ge [sflag:s21], $0x1880  }
0x22: {  	[sflag:s21] =	ssyncset.done $0x0  }
0x23: {  	[sflag:s21] =	ssyncadd.s32 $0xFFFFE780  }
0x24: {  	[spmem:s7] =	stream.linear.scatter [tilespmem:s20], [sflag:$0x3], $0x1880, $0x38;
	[tilespmem:$0x10F00] =	vst v63  }
0x25: {  	_ =	swait.ge [sflag:s21], $0x1880  }
0x26: {  	[sflag:s21] =	ssyncset.done $0x0  }
0x27: {  	[sflag:s21] =	ssyncadd.s32 $0xFFFFE780  }
0x28: {  	[bflag:$0x0] =	sbarrier.arrive $0xFFFF  }
0x29: {  	[tilespmem:s4], [sflag:$0x1] =	stream.linear.gather [hbm4b:s8+s4], $0x2710, $0x38;
	[tilespmem:$0x10F00] =	vst v63  }
0x2a: {  	_ = 	snop  }
0x2b: {  	[tilespmem:s22], [sflag:$0x1] =	stream.linear.gather [hbm4b:s9+s4], $0x2710, $0x38;
	[tilespmem:$0x10F00] =	vst v63  }
0x2c: {  	_ =	swait.ge [sflag:s23], $0x2710  }
0x2d: {  	[sflag:s23] =	ssyncset.done $0x0  }
0x2e: {  	[sflag:s23] =	ssyncadd.s32 $0xFFFFD8F0  }
0x2f: {  	_ =	swait.ge [sflag:s23], $0x2710  }
0x30: {  	[sflag:s23] =	ssyncset.done $0x0  }
0x31: {  	[sflag:s23] =	ssyncadd.s32 $0xFFFFD8F0  }
0x32: {  	[tilespmem:s24], [sflag:$0x2] =	stream.linear.gather [hbm4b:s10+s4], $0x2710, $0x38;
	[tilespmem:$0x10F00] =	vst v63  }
0x33: {  	_ = 	snop  }
0x34: {  	[tilespmem:s25], [sflag:$0x2] =	stream.linear.gather [hbm4b:s11+s4], $0x2710, $0x38;
	[tilespmem:$0x10F00] =	vst v63  }
0x35: {  	_ = 	snop  }
0x36: {  	[tilespmem:s28], [sflag:$0x3] =	stream.indirect.gather [spmem:s3], $0x1, s4, s26, $0xb8;
	[tilespmem:$0x10F00] =	vst v63  }
0x37: {  	_ =	swait.ge [sflag:s21], $0x2710  }
0x38: {  	[sflag:s21] =	ssyncset.done $0x0  }
0x39: {  	[sflag:s21] =	ssyncadd.s32 $0xFFFFD8F0  }
0x3a: {  	[spmem:s1] =	stream.indirect.scatter.add.f32 [tilespmem:s28], [sflag:$0x3], $0x1, s22, s26, $0xb8;
	[tilespmem:$0x10F00] =	vst v63  }
0x3b: {  	_ =	swait.ge [sflag:s21], $0x2710  }
0x3c: {  	[sflag:s21] =	ssyncset.done $0x0  }
0x3d: {  	[sflag:s21] =	ssyncadd.s32 $0xFFFFD8F0  }
0x3e: {  	_ =	swait.ge [sflag:s29], $0x2710  }
0x3f: {  	[sflag:s29] =	ssyncset.done $0x0  }
0x40: {  	[sflag:s29] =	ssyncadd.s32 $0xFFFFD8F0  }
0x41: {  	_ =	swait.ge [sflag:s29], $0x2710  }
0x42: {  	[sflag:s29] =	ssyncset.done $0x0  }
0x43: {  	[sflag:s29] =	ssyncadd.s32 $0xFFFFD8F0  }
0x44: {  	[tilespmem:s4], [sflag:$0x1] =	stream.linear.gather [hbm4b:s12+s4], $0x2710, $0x38;
	[tilespmem:$0x10F00] =	vst v63  }
0x45: {  	_ = 	snop  }
0x46: {  	[tilespmem:s22], [sflag:$0x1] =	stream.linear.gather [hbm4b:s13+s4], $0x2710, $0x38;
	[tilespmem:$0x10F00] =	vst v63  }
0x47: {  	_ = 	snop  }
0x48: {  	[tilespmem:s28], [sflag:$0x3] =	stream.indirect.gather [spmem:s3], $0x1, s24, s26, $0xb8;
	[tilespmem:$0x10F00] =	vst v63  }
0x49: {  	_ =	swait.ge [sflag:s21], $0x2710  }
0x4a: {  	[sflag:s21] =	ssyncset.done $0x0  }
0x4b: {  	[sflag:s21] =	ssyncadd.s32 $0xFFFFD8F0  }
0x4c: {  	[spmem:s1] =	stream.indirect.scatter.add.f32 [tilespmem:s28], [sflag:$0x3], $0x1, s25, s26, $0xb8;
	[tilespmem:$0x10F00] =	vst v63  }
0x4d: {  	_ =	swait.ge [sflag:s21], $0x2710  }
0x4e: {  	[sflag:s21] =	ssyncset.done $0x0  }
0x4f: {  	[sflag:s21] =	ssyncadd.s32 $0xFFFFD8F0  }
0x50: {  	_ =	swait.ge [sflag:s23], $0x2710  }
0x51: {  	[sflag:s23] =	ssyncset.done $0x0  }
0x52: {  	[sflag:s23] =	ssyncadd.s32 $0xFFFFD8F0  }
0x53: {  	_ =	swait.ge [sflag:s23], $0x2710  }
0x54: {  	[sflag:s23] =	ssyncset.done $0x0  }
0x55: {  	[sflag:s23] =	ssyncadd.s32 $0xFFFFD8F0  }
0x56: {  	[tilespmem:s24], [sflag:$0x2] =	stream.linear.gather [hbm4b:s14+s4], $0x2710, $0x38;
	[tilespmem:$0x10F00] =	vst v63  }
0x57: {  	_ = 	snop  }
0x58: {  	[tilespmem:s25], [sflag:$0x2] =	stream.linear.gather [hbm4b:s15+s4], $0x2710, $0x38;
	[tilespmem:$0x10F00] =	vst v63  }
0x59: {  	_ = 	snop  }
0x5a: {  	[tilespmem:s28], [sflag:$0x3] =	stream.indirect.gather [spmem:s3], $0x1, s4, s26, $0xb8;
	[tilespmem:$0x10F00] =	vst v63  }
0x5b: {  	_ =	swait.ge [sflag:s21], $0x2710  }
0x5c: {  	[sflag:s21] =	ssyncset.done $0x0  }
0x5d: {  	[sflag:s21] =	ssyncadd.s32 $0xFFFFD8F0  }
0x5e: {  	[spmem:s1] =	stream.indirect.scatter.add.f32 [tilespmem:s28], [sflag:$0x3], $0x1, s22, s26, $0xb8;
	[tilespmem:$0x10F00] =	vst v63  }
0x5f: {  	_ =	swait.ge [sflag:s21], $0x2710  }
0x60: {  	[sflag:s21] =	ssyncset.done $0x0  }
0x61: {  	[sflag:s21] =	ssyncadd.s32 $0xFFFFD8F0  }
0x62: {  	_ =	swait.ge [sflag:s29], $0x2710  }
0x63: {  	[sflag:s29] =	ssyncset.done $0x0  }
0x64: {  	[sflag:s29] =	ssyncadd.s32 $0xFFFFD8F0  }
0x65: {  	_ =	swait.ge [sflag:s29], $0x2710  }
0x66: {  	[sflag:s29] =	ssyncset.done $0x0  }
0x67: {  	[sflag:s29] =	ssyncadd.s32 $0xFFFFD8F0  }
0x68: {  	[tilespmem:s4], [sflag:$0x1] =	stream.linear.gather [hbm4b:s16+s4], $0x2710, $0x38;
	[tilespmem:$0x10F00] =	vst v63  }
0x69: {  	_ = 	snop  }
0x6a: {  	[tilespmem:s22], [sflag:$0x1] =	stream.linear.gather [hbm4b:s17+s4], $0x2710, $0x38;
	[tilespmem:$0x10F00] =	vst v63  }
0x6b: {  	_ = 	snop  }
0x6c: {  	[tilespmem:s28], [sflag:$0x3] =	stream.indirect.gather [spmem:s3], $0x1, s24, s26, $0xb8;
	[tilespmem:$0x10F00] =	vst v63  }
0x6d: {  	_ =	swait.ge [sflag:s21], $0x2710  }
0x6e: {  	[sflag:s21] =	ssyncset.done $0x0  }
0x6f: {  	[sflag:s21] =	ssyncadd.s32 $0xFFFFD8F0  }
0x70: {  	[spmem:s1] =	stream.indirect.scatter.add.f32 [tilespmem:s28], [sflag:$0x3], $0x1, s25, s26, $0xb8;
	[tilespmem:$0x10F00] =	vst v63  }
0x71: {  	_ =	swait.ge [sflag:s21], $0x2710  }
0x72: {  	[sflag:s21] =	ssyncset.done $0x0  }
0x73: {  	[sflag:s21] =	ssyncadd.s32 $0xFFFFD8F0  }
0x74: {  	_ =	swait.ge [sflag:s23], $0x2710  }
0x75: {  	[sflag:s23] =	ssyncset.done $0x0  }
0x76: {  	[sflag:s23] =	ssyncadd.s32 $0xFFFFD8F0  }
0x77: {  	_ =	swait.ge [sflag:s23], $0x2710  }
0x78: {  	[sflag:s23] =	ssyncset.done $0x0  }
0x79: {  	[sflag:s23] =	ssyncadd.s32 $0xFFFFD8F0  }
0x7a: {  	[tilespmem:s28], [sflag:$0x3] =	stream.indirect.gather [spmem:s3], $0x1, s4, s26, $0xb8;
	[tilespmem:$0x10F00] =	vst v63  }
0x7b: {  	_ =	swait.ge [sflag:s21], $0x2710  }
0x7c: {  	[sflag:s21] =	ssyncset.done $0x0  }
0x7d: {  	[sflag:s21] =	ssyncadd.s32 $0xFFFFD8F0  }
0x7e: {  	[spmem:s1] =	stream.indirect.scatter.add.f32 [tilespmem:s28], [sflag:$0x3], $0x1, s22, s26, $0xb8;
	[tilespmem:$0x10F00] =	vst v63  }
0x7f: {  	_ =	swait.ge [sflag:s21], $0x2710  }
0x80: {  	[sflag:s21] =	ssyncset.done $0x0  }
0x81: {  	[sflag:s21] =	ssyncadd.s32 $0xFFFFD8F0  }
0x82: {  	[bflag:$0x0] =	sbarrier.arrive $0xFFFF  }
0x83: {  	[tilespmem:s20], [sflag:$0x3] =	stream.linear.gather [spmem:s5], $0x1880, $0x38;
	[tilespmem:$0x10F00] =	vst v63  }
0x84: {  	s0 =	sadd.s32 $0x1, s0;
	_ =	swait.ge [sflag:s21], $0x1880  }
0x85: {  	p0 =	sne.s32 s0, s19;
	[sflag:s21] =	ssyncset.done $0x0  }
.Ltmp1:
0x86: {  	s2 =	simm.s32 $0x80;
	[sflag:s21] =	ssyncadd.s32 $0xFFFFE780;
	(pc) =	sbr.rel @p0 .LBB2_1-.Ltmp1, $4  }
0x87: {  	[hbm4b:s18+s2] =	stream.strided.scatter [tilespmem:s20], [sflag:$0x3], $0x1880, s31, s2, $0x38;
	[tilespmem:$0x10F00] =	vst v63  }
0x88: {  	_ =	swait.ge [sflag:s21], $0x1880  }
0x89: {  	[sflag:s21] =	ssyncset.done $0x0  }
0x8a: {  	[sflag:s21] =	ssyncadd.s32 $0xFFFFE780  }
0x8b: {  	_ =	sfence.sel $0x180000  }
0x8c: {  	[bflag:$0x0] =	sbarrier.arrive $0xFFFF  }
0x8d: {  	_ =	strace $0x9000004A  }
0x8e: {  	s0 =	stileid.u32;
	[bflag:$0x2] =	sbarrier.arrive $0xFFFF  }
0x8f: {  	p0 =	sne.s32 s0, $0x0;
	s0 =	rddreg [dreg:$0x4]  }
0x90: {  	s0 =	sadd.s32 @!p0 $0x100000, s0  }
0x91: {  	[sflag:s0] =	ssyncadd.tile.s32 @!p0 $0x1;
	_ =	shalt  }
.Lfunc_end2:
_tile_overlayer_lowered:
.L_overlay_start_2:
0x92: {  	(tag) =	ssettag $0x2  }
0x93: {  	s0 =	rddreg [dreg:$0x0];
	s2 =	stileid.u32  }
0x94: {  	s1 =	rddreg [dreg:$0x1];
	p0 =	sne.s32 s2, $0x0  }
0x95: {  	s3 =	rddreg [dreg:$0x2];
	[bflag:$0x3] =	sbarrier.arrive $0xFFFF;
	s2 =	simm.s32 @!p0 $0x1C03  }
0x96: {  	[timem:s3], [sflag:s2] =	dma.local @!p0 [hbm:s0], s1  }
0x97: {  	s0 =	simm.s32 @!p0 $0x3  }
0x98: {  	_ =	swait.ge @!p0 [sflag:s0], s1  }
0x99: {  	s1 =	ssub.s32 @!p0 $0x0, s1;
	[sflag:s0] =	ssyncset.done @!p0 $0x0  }
0x9a: {  	[sflag:s0] =	ssyncadd.s32 @!p0 s1  }
0x9b: {  	[bflag:$0x3] =	sbarrier.arrive $0xFFFF  }
0x9c: {  	_ =	shalt  }

// kernel: kernel.7.cloned.1.call-start
scs
__scs_entry_jumppad:
0x0: {  	(pc) =	sbr.rel $0x88, $3  }
0x1: {  	(tag) =	ssettag $0x0;
	lr =	simm.s32 $0x1  }
0x2: {  	[smem:$0x3F94] =	sst lr;
	_ =	strace $0xD0000000  }
0x3: {  	_ = 	snop  }
0x4: {  	_ = 	snop  }
0x5: {  	_ = 	snop  }
0x6: {  	_ = 	snop  }
0x7: {  	_ = 	snop  }
__scs_overlays_trampoline_lowered:
0x8: {  	[smem:$0x3FA3] =	sst s0  }
0x9: {  	[smem:$0x3FA4] =	sst s1  }
0xa: {  	[smem:$0x3FA5] =	sst s2  }
0xb: {  	[smem:$0x3FA6] =	sst s3  }
0xc: {  	[smem:$0x3FA7] =	sst s4  }
0xd: {  	[smem:$0x3FA8] =	sst s5  }
0xe: {  	[smem:$0x3FA9] =	sst s6  }
0xf: {  	[smem:$0x3FAA] =	sst s7  }
0x10: {  	[smem:$0x3FAB] =	sst s8  }
0x11: {  	[smem:$0x3FAC] =	sst s9;
	s0 =	simm.s32 @!p0 $0x0  }
0x12: {  	s1 =	sld [smem:$0x3F92];
	s0 =	simm.s32 @p0 $0x1  }
0x13: {  	[smem:$0x3FAD] =	sst s0;
	s0 =	simm.s32 @!p1 $0x0  }
0x14: {  	s2 =	sld [smem:$0x3F91];
	s0 =	simm.s32 @p1 $0x1  }
0x15: {  	[smem:$0x3FAE] =	sst s0;
	s0 =	simm.s32 @!p2 $0x0  }
0x16: {  	s3 =	sld [smem:$0x3FDB];
	s0 =	simm.s32 @p2 $0x1  }
0x17: {  	s4 =	simm.s32 $0x1BF5;
	[smem:$0x3FB0] =	sst s0  }
0x18: {  	s0 =	sld [smem:$0x3F93];
	_ =	swait.ge [sflag:s4], $0x0  }
0x19: {  	s7 =	sld [smem:$0x3F94]  }
0x1a: {  	s8 =	sadd.s32 $0xFFFFE003, lr  }
0x1b: {  	s9 =	sadd.s32 $0xFFFFFEF7, lr;
	s5 =	simm.s32 $0xFFFFFFFF;
	p2 =	slt.u32 s8, $0xFFFFF086  }
0x1c: {  	p1 =	slt.u32 s9, $0xF7A;
	s5 =	simm.s32 @!p2 $0x0  }
0x1d: {  	s5 =	simm.s32 @p1 $0x1;
	p0 =	seq.s32 s7, s2  }
0x1e: {  	s7 =	smul.u32 @!p0 $0xF7A, s2;
	p2 =	seq.s32 @!p0 s5, $0x0  }
0x1f: {  	s9 =	smul.u32 $0xF7A, s1;
	s8 =	simm.s32 @!p0 $0x1BF5;
	p2 =	por !p2, p0  }
0x20: {  	[sflag:s8] =	ssyncset.s32 @!p0 $0xFFFFF086;
	s6 =	sadd.s32 @!p0 s3, s7;
	s7 =	simm.s32 @!p0 $0x108  }
0x21: {  	s3 =	sadd.s32 s3, s9;
	s6 =	sadd.s32 @!p0 $0x88, s6;
	s7 =	simm.s32 @p2 $0x1082  }
0x22: {  	[simem:s7], [sflag:s8] =	dma.local @!p0 [hbm:s6], $0xF7A  }
0x23: {  	s9 =	sor.u32 $0xD0000000, s2;
	s6 =	simm.s32 $0x108;
	_ =	swait.ge @!p0 [sflag:s8], $0x0  }
0x24: {  	s3 =	sadd.s32 $0x88, s3;
	s6 =	simm.s32 @!p1 $0x1082;
	[sflag:s4] =	ssyncset.s32 $0xFFFFF086  }
0x25: {  	[simem:s6], [sflag:s4] =	dma.local [hbm:s3], $0xF7A  }
0x26: {  	[smem:$0x3F94] =	sst s1;
	(tag) =	ssettag s2;
	_ =	strace s9  }
0x27: {  	s1 =	sld [smem:$0x3FA4]  }
0x28: {  	s2 =	sld [smem:$0x3FA5]  }
0x29: {  	s4 =	sld [smem:$0x3FA7]  }
0x2a: {  	p0 =	seq.s32 s5, $0x0;
	s5 =	sld [smem:$0x3FA8]  }
0x2b: {  	s6 =	sld [smem:$0x3FA9]  }
0x2c: {  	s7 =	sld [smem:$0x3FAA]  }
0x2d: {  	s3 =	simm.s32 $0x108;
	s8 =	sld [smem:$0x3FAB]  }
0x2e: {  	s3 =	simm.s32 @!p0 $0x1082;
	s9 =	sld [smem:$0x3FAC]  }
0x2f: {  	lr =	sadd.s32 s0, s3;
	s0 =	sld [smem:$0x3FA3]  }
0x30: {  	s3 =	sld [smem:$0x3FA6]  }
0x31: {  	[smem:$0x3FAF] =	sst s10  }
0x32: {  	s10 =	sld [smem:$0x3FAD];
	_ =	sdelay $0x3  }
0x33: {  	p0 =	seq.s32 s10, $0x1;
	s10 =	sld [smem:$0x3FAF];
	_ =	sdelay $0x3  }
0x34: {  	[smem:$0x3FAF] =	sst s10  }
0x35: {  	s10 =	sld [smem:$0x3FAE];
	_ =	sdelay $0x3  }
0x36: {  	p1 =	seq.s32 s10, $0x1;
	s10 =	sld [smem:$0x3FAF];
	_ =	sdelay $0x3  }
0x37: {  	[smem:$0x3FAF] =	sst s10  }
0x38: {  	s10 =	sld [smem:$0x3FB0]  }
0x39: {  	_ = 	snop;
	(pc) =	sbr.ind lr, $3  }
0x3a: {  	_ = 	snop  }
0x3b: {  	_ = 	snop  }
0x3c: {  	p2 =	seq.s32 s10, $0x1;
	s10 =	sld [smem:$0x3FAF]  }
0x3d: {  	_ =	shalt  }
0x3e: {  	_ =	shalt  }
0x3f: {  	_ =	shalt  }
0x40: {  	_ =	shalt  }
0x41: {  	_ =	shalt  }
0x42: {  	_ =	shalt  }
0x43: {  	_ =	shalt  }
0x44: {  	_ =	shalt  }
0x45: {  	_ =	shalt  }
0x46: {  	_ =	shalt  }
0x47: {  	_ =	shalt  }
0x48: {  	_ =	shalt  }
0x49: {  	_ =	shalt  }
0x4a: {  	_ =	shalt  }
0x4b: {  	_ =	shalt  }
0x4c: {  	_ =	shalt  }
0x4d: {  	_ =	shalt  }
0x4e: {  	_ =	shalt  }
0x4f: {  	_ =	shalt  }
0x50: {  	_ =	shalt  }
0x51: {  	_ =	shalt  }
0x52: {  	_ =	shalt  }
0x53: {  	_ =	shalt  }
0x54: {  	_ =	shalt  }
0x55: {  	_ =	shalt  }
0x56: {  	_ =	shalt  }
0x57: {  	_ =	shalt  }
0x58: {  	_ =	shalt  }
0x59: {  	_ =	shalt  }
0x5a: {  	_ =	shalt  }
0x5b: {  	_ =	shalt  }
0x5c: {  	_ =	shalt  }
0x5d: {  	_ =	shalt  }
0x5e: {  	_ =	shalt  }
0x5f: {  	_ =	shalt  }
0x60: {  	_ =	shalt  }
0x61: {  	_ =	shalt  }
0x62: {  	_ =	shalt  }
0x63: {  	_ =	shalt  }
0x64: {  	_ =	shalt  }
0x65: {  	_ =	shalt  }
0x66: {  	_ =	shalt  }
0x67: {  	_ =	shalt  }
0x68: {  	_ =	shalt  }
0x69: {  	_ =	shalt  }
0x6a: {  	_ =	shalt  }
0x6b: {  	_ =	shalt  }
0x6c: {  	_ =	shalt  }
0x6d: {  	_ =	shalt  }
0x6e: {  	_ =	shalt  }
0x6f: {  	_ =	shalt  }
0x70: {  	_ =	shalt  }
0x71: {  	_ =	shalt  }
0x72: {  	_ =	shalt  }
0x73: {  	_ =	shalt  }
0x74: {  	_ =	shalt  }
0x75: {  	_ =	shalt  }
0x76: {  	_ =	shalt  }
0x77: {  	_ =	shalt  }
0x78: {  	_ =	shalt  }
0x79: {  	_ =	shalt  }
0x7a: {  	_ =	shalt  }
0x7b: {  	_ =	shalt  }
0x7c: {  	_ =	shalt  }
0x7d: {  	_ =	shalt  }
0x7e: {  	_ =	shalt  }
0x7f: {  	_ =	shalt  }
0x80: {  	_ =	shalt  }
0x81: {  	_ =	shalt  }
0x82: {  	_ =	shalt  }
0x83: {  	_ =	shalt  }
0x84: {  	_ =	shalt  }
0x85: {  	_ =	shalt  }
0x86: {  	_ =	shalt  }
0x87: {  	_ =	shalt  }
.Lfunc_end0:
.L_simem_size_0:
called_computation_lowered:
.L_overlay_start_0:
0x88: {  	s2 =	sld [smem:$0x3FD9]  }
0x89: {  	s3 =	sld [smem:$0x3FFE];
	_ =	sdelay $0x1  }
0x8a: {  	s1 =	srdreg.scid  }
0x8b: {  	s0 =	sand.u32 $0x1, s1  }
0x8c: {  	s17 =	sshll.u32 s0, $0xA;
	s2 =	sadd.s32 s3, s2  }
0x8d: {  	s2 =	sadd.s32 s2, s17  }
0x8e: {  	[smem:$0x3FBB] =	sst s2  }
0x8f: {  	_ = 	snop  }
0x90: {  	s2 =	sld [smem:$0x3FC8];
	(tm) =	ssettm $0x1  }
0x91: {  	s18 =	sld [smem:$0x3FFB];
	_ =	sdelay $0x3  }
0x92: {  	_ =	strace s18  }
0x93: {  	s3 =	sld [smem:$0x3FFC];
	_ =	sdelay $0x3  }
0x94: {  	_ =	strace s3  }
0x95: {  	s3 =	sld [smem:$0x3FFD];
	_ =	sdelay $0x3  }
0x96: {  	_ =	strace s3  }
0x97: {  	_ =	strace $0x8FFFFFFF  }
0x98: {  	s19 =	sld [smem:$0x3FDB];
	_ =	sdelay $0x1  }
0x99: {  	s4 =	simm.s32 $_scs_section_size  }
0x9a: {  	s5 =	simm.s32 $_size__tile_overlayer_lowered;
	s6 =	simm.s32 $_tile_overlayer_lowered  }
0x9b: {  	s22 =	simm.s32 $0x1BFF;
	s21 =	sshll.u32 s6, $0x1;
	s3 =	sadd.s32 s4, s19  }
0x9c: {  	s7 =	simm.s32 $0x0;
	s20 =	sshll.u32 s5, $0x1;
	s5 =	sadd.s32 s21, s3  }
0x9d: {  	[timem:s7], [sflag:s22] =	dma.local [hbm:s5], s20  }
0x9e: {  	_ =	swait.ge [sflag:s22], s20  }
0x9f: {  	s4 =	ssub.s32 $0x0, s20;
	[sflag:s22] =	ssyncset.done $0x0  }
0xa0: {  	[sflag:s22] =	ssyncadd.s32 s4;
	_ =	sdelay $0x1  }
0xa1: {  	s23 =	simm.s32 $0x1B8B  }
0xa2: {  	_ =	swait.ge [sflag:s23], $0x1  }
0xa3: {  	[sflag:s23] =	ssyncset.done $0x0  }
0xa4: {  	s25 =	simm.s32 $0x1B8E;
	s24 =	sld [smem:$0x3FFE];
	[sflag:s23] =	ssyncadd.s32 $0xFFFFFFFF  }
0xa5: {  	s26 =	simm.s32 $execute0_lowered;
	[smem:$0x3FD2] =	sst s25  }
0xa6: {  	s5 =	sshll.u32 s26, $0x1;
	_ =	strace $0x80000046;
	[dreg:$0x1] =	wrdreg $0xFFFFFFFF  }
0xa7: {  	s28 =	simm.s32 $_size_execute0_lowered;
	s3 =	sadd.s32 s3, s5;
	[dreg:$0x0] =	wrdreg $0x0  }
0xa8: {  	s5 =	sshll.u32 s28, $0x1;
	[dreg:$0x2] =	wrdreg s3  }
0xa9: {  	[dreg:$0x3] =	wrdreg s5  }
0xaa: {  	[dreg:$0x4] =	wrdreg $0xC0  }
0xab: {  	_ =	task [dreg:s7], $0x5FFFF  }
0xac: {  	[dreg:$0x1] =	wrdreg $0xFFFFFFFF  }
0xad: {  	[dreg:$0x0] =	wrdreg $0x60  }
0xae: {  	[dreg:$0x2] =	wrdreg s2  }
0xaf: {  	[dreg:$0x3] =	wrdreg s24  }
0xb0: {  	[dreg:$0x4] =	wrdreg $0x176800  }
0xb1: {  	[dreg:$0x5] =	wrdreg $0x9  }
0xb2: {  	_ =	task.clear_ibuf [dreg:s7], $0x6FFFF;
	_ =	strace $0x90000046  }
0xb3: {  	s29 =	simm.s32 $0x9;
	_ =	strace $0x80000048  }
0xb4: {  	_ =	swait.ge [sflag:s29], $0x1  }
0xb5: {  	[sflag:s29] =	ssyncadd.s32 $0xFFFFFFFF  }
0xb6: {  	_ =	strace $0x90000048  }
0xb7: {  	_ =	sfence  }
0xb8: {  	s30 =	sld [smem:$0x0];
	_ =	sdelay $0x2  }
0xb9: {  	s31 =	sshll.u32 s1, $0xD;
	s1 =	sshrl.u32 s1, $0x2  }
0xba: {  	s3 =	sand.u32 $0x4000, s31;
	s1 =	sadd.s32 s1, s30  }
0xbb: {  	s0 =	sor.u32 s3, s0;
	s1 =	sshll.u32 s1, $0x11  }
0xbc: {  	s0 =	sor.u32 s1, s0  }
0xbd: {  	s0 =	sadd.s32 $0x8F2B, s0  }
0xbe: {  	[sflag:s0] =	ssyncadd.remote.s32 $0x1  }
0xbf: {  	_ =	sfence.sel $0xFFFF  }
0xc0: {  	[dreg:$0x0] =	wrdreg $0xFFFFFFFF;
	(pc) =	sbr.abs _section_cstart, $3  }
0xc1: {  	[dreg:$0x1] =	wrdreg $0xFFFFFFFF  }
0xc2: {  	_ =	task.clear_ibuf [dreg:s7], $0x2FFFF;
	_ =	strace $0x9FFFFFFF  }
0xc3: {  	(tm) =	ssettm $0x7FFFFFFF  }
tec
execute0_lowered:
.L_overlay_start_1:
0x0: {  	(tag) =	ssettag $0x1  }
0x1: {  	s0 =	rddreg [dreg:$0x0]  }
0x2: {  	s1 =	srdreg.scid;
	s4 =	rddreg [dreg:$0x1]  }
0x3: {  	s7 =	stileid.u32;
	s2 =	rddreg [dreg:$0x2];
	s3 =	simm.s32 $0x0  }
0x4: {  	s19 =	simm.s32 $0x15E00;
	s20 =	simm.s32 $0x4;
	s28 =	simm.s32 $0xC800  }
0x5: {  	s29 =	simm.s32 $0xFA00;
	s1 =	sand.u32 $0x1, s1;
	s5 =	smul.u32 $0x3100, s7  }
0x6: {  	[smem:$0x7FF] =	sst s3;
	s16 =	sadd.s32 $0x7A00, s4;
	s21 =	sshll.u32 s1, $0x4  }
0x7: {  	s22 =	smul.u32 $0x6200, s7;
	s17 =	sadd.s32 $0x38800, s4;
	s21 =	sor.u32 s7, s21  }
0x8: {  	s6 =	sshll.u32 s1, $0x7;
	_ =	strace $0x80000047;
	s23 =	smul.u32 $0xC80, s21  }
0x9: {  	s1 =	ssub.s32 $0x2, s1;
	s5 =	sor.u32 s6, s5;
	s13 =	smul.u32 $0x3200, s21  }
0xa: {  	s24 =	sshrl.u32 s1, $0x1;
	s5 =	sshrl.u32 s5, $0x3;
	s8 =	smul.u32 $0x6400, s21  }
0xb: {  	s1 =	ssub.s32 s1, s24;
	s10 =	smul.u32 $0x640, s21;
	s24 =	simm.s32 $0x12C00  }
0xc: {  	p0 =	sgt.u32 s21, $0x1C;
	s15 =	sadd.s32 s5, s4;
	s5 =	sshrl.u32 s22, $0x2  }
0xd: {  	s22 =	simm.s32 $0x1;
	s4 =	sadd.s32 s5, s2;
	s5 =	sadd.s32 s0, s23  }
0xe: {  	s9 =	sadd.s32 $0x64000, s13;
	s14 =	sadd.s32 $0xC8000, s13;
	s11 =	sshrl.u32 s8, $0x3  }
0xf: {  	s8 =	sadd.s32 s16, s10;
	s18 =	sshrl.u32 s13, $0x3;
	s23 =	simm.s32 $0x3200  }
0x10: {  	s25 =	sshrl.u32 s9, $0x2;
	s26 =	sshrl.u32 s14, $0x2;
	s12 =	sshrl.u32 s9, $0x3  }
0x11: {  	s9 =	sadd.s32 s17, s10;
	s30 =	sshrl.u32 s14, $0x3;
	s31 =	sadd.s32 $0x25800, s18  }
0x12: {  	s18 =	smax.u32 s1, $0x1;
	s1 =	simm.s32 $0x0;
	s6 =	sadd.s32 s0, s25  }
.Ltmp0:
0x13: {  	s7 =	sadd.s32 s0, s26;
	s0 =	sadd.s32 s0, s11;
	(pc) =	sbr.rel .LBB2_1-.Ltmp0, $4  }
0x14: {  	s11 =	sadd.s32 s16, s12;
	s12 =	sadd.s32 s17, s12;
	s13 =	sadd.s32 s16, s30  }
0x15: {  	s14 =	sadd.s32 s17, s30;
	s16 =	sadd.s32 s16, s31;
	s25 =	simm.s32 $0x3  }
0x16: {  	s10 =	sadd.s32 $0x4B000, s0;
	[dreg:$0x4] =	wrdreg s16;
	s0 =	sadd.s32 s17, s31  }
0x17: {  	v0 =	vimm.f32 $1.000000000e+00;
	v1 =	vimm.f32 $0.0e+00;
	s26 =	simm.s32 $0x2;
	s17 =	sadd.s32 $0x1800, s15;
	[dreg:$0x5] =	wrdreg s0  }
.LBB2_14:
0x18: {  	s15 =	sor.u32 s30, s31;
	[tilespmem:s0+$0x0] =	vst v2  }
0x19: {  	v2 =	vld [tilespmem:s15+$0x6400];
	_ =	sdelay $0x3  }
0x1a: {  	s16 =	sadd.s32 $0x10, s21  }
0x1b: {  	[tilespmem:s16+$0x0] =	vst v2  }
0x1c: {  	v2 =	vld [tilespmem:s15+$0x6480];
	_ =	sdelay $0x3  }
0x1d: {  	s21 =	sadd.s32 $0x10, s0  }
0x1e: {  	s30 =	rddreg [dreg:$0x4];
	[tilespmem:s21+$0x0] =	vst v2  }
0x1f: {  	[hbm4b:s30+s3] =	stream.linear.scatter [tilespmem:s28], [sflag:$0x3], $0x3200, $0x38;
	[tilespmem:$0x18F00] =	vst v63  }
0x20: {  	s31 =	rddreg [dreg:$0x5]  }
0x21: {  	[hbm4b:s31+s3] =	stream.linear.scatter [tilespmem:s29], [sflag:$0x3], $0x3200, $0x38;
	[tilespmem:$0x18F00] =	vst v63  }
0x22: {  	_ = 	snop  }
0x23: {  	[spmem:s2] =	stream.indirect.scatter.add.f32 [tilespmem:s24], [sflag:$0x4], $0x1, s29, s23, $0xb8;
	[tilespmem:$0x18F00] =	vst v63  }
0x24: {  	_ =	swait.ge [sflag:s20], $0x3200  }
0x25: {  	[sflag:s20] =	ssyncset.done $0x0  }
0x26: {  	[sflag:s20] =	ssyncadd.s32 $0xFFFFCE00  }
0x27: {  	_ =	swait.ge [sflag:s25], $0x3200  }
0x28: {  	[sflag:s25] =	ssyncset.done $0x0  }
0x29: {  	[sflag:s25] =	ssyncadd.s32 $0xFFFFCE00  }
0x2a: {  	_ =	swait.ge [sflag:s25], $0x3200  }
0x2b: {  	[sflag:s25] =	ssyncset.done $0x0  }
0x2c: {  	[sflag:s25] =	ssyncadd.s32 $0xFFFFCE00  }
.LBB2_15:
0x2d: {  	[bflag:$0x0] =	sbarrier.arrive $0xFFFF  }
0x2e: {  	[tilespmem:s19], [sflag:$0x4] =	stream.linear.gather [spmem:s4], $0x1880, $0x38;
	[tilespmem:$0x18F00] =	vst v63  }
0x2f: {  	s1 =	sadd.s32 $0x1, s1;
	_ =	swait.ge [sflag:s20], $0x1880  }
0x30: {  	s0 =	simm.s32 $0x80;
	p1 =	sne.s32 s1, s18;
	[sflag:s20] =	ssyncset.done $0x0  }
.Ltmp1:
0x31: {  	s15 =	simm.s32 $0x100;
	[sflag:s20] =	ssyncadd.s32 $0xFFFFE780;
	(pc) =	sbr.rel @!p1 .LBB2_16-.Ltmp1, $4  }
0x32: {  	[hbm4b:s17+s0] =	stream.strided.scatter [tilespmem:s19], [sflag:$0x4], $0x1880, s15, s0, $0x38;
	[tilespmem:$0x18F00] =	vst v63  }
0x33: {  	_ =	swait.ge [sflag:s20], $0x1880  }
0x34: {  	[sflag:s20] =	ssyncset.done $0x0  }
0x35: {  	[sflag:s20] =	ssyncadd.s32 $0xFFFFE780  }
.LBB2_1:
0x36: {  	s0 =	simm.s32 $0x0  }
.LBB2_2:
0x37: {  	p1 =	sne.s32 s0, $0xC7C0  }
.Ltmp2:
0x38: {  	_ = 	snop;
	(pc) =	sbr.rel @p1 .LBB2_2-.Ltmp2, $3  }
0x39: {  	_ =	sdelay $0x1  }
0x3a: {  	s15 =	sshra.s32 s0, $0x2  }
0x3b: {  	s0 =	sadd.s32 $0x40, s0;
	[tilespmem:s15+$0x12C00] =	vst v0  }
0x3c: {  	s0 =	simm.s32 $0x40;
	s15 =	simm.s32 $0x0  }
.LBB2_4:
0x3d: {  	p1 =	sne.s32 s0, $0x61C0;
	[tilespmem:s15+$0x15E00] =	vst v1;
	s15 =	smov.u32 s0;
	s0 =	sadd.s32 $0x40, s0  }
.Ltmp3:
0x3e: {  	(pc) =	sbr.rel @p1 .LBB2_4-.Ltmp3, $2  }
0x3f: {  	_ =	sdelay $0x2  }
0x40: {  	s15 =	sshra.s32 s15, $0x2  }
0x41: {  	[tilespmem:s15+$0x15E00] =	vst v1  }
0x42: {  	[spmem:s4] =	stream.linear.scatter [tilespmem:s19], [sflag:$0x4], $0x1880, $0x38;
	[tilespmem:$0x18F00] =	vst v63  }
0x43: {  	_ =	swait.ge [sflag:s20], $0x1880  }
0x44: {  	[sflag:s20] =	ssyncset.done $0x0  }
0x45: {  	[sflag:s20] =	ssyncadd.s32 $0xFFFFE780  }
0x46: {  	s0 =	simm.s32 $0x0;
	[bflag:$0x0] =	sbarrier.arrive $0xFFFF  }
0x47: {  	[tilespmem:s0], [sflag:$0x1] =	stream.linear.gather [hbm4b:s5+s0], $0x6400, $0x38;
	[tilespmem:$0x18F00] =	vst v63  }
0x48: {  	s16 =	simm.s32 $0x6400  }
0x49: {  	[tilespmem:s16], [sflag:$0x2] =	stream.linear.gather [hbm4b:s6+s0], $0x6400, $0x38;
	[tilespmem:$0x18F00] =	vst v63  }
0x4a: {  	_ =	swait.ge [sflag:s22], $0x6400  }
0x4b: {  	s21 =	sand.u32 $0x70, s0;
	s0 =	sand.u32 $0x7F00, s0;
	[sflag:s22] =	ssyncset.done $0x0  }
0x4c: {  	s16 =	sor.u32 s21, s0;
	[sflag:s22] =	ssyncadd.s32 $0xFFFF9C00  }
0x4d: {  	v2 =	vld [tilespmem:s16+$0x0];
	_ =	sdelay $0x3  }
0x4e: {  	s21 =	simm.s32 $0xC800  }
0x4f: {  	[tilespmem:s21+$0x0] =	vst v2  }
0x50: {  	v2 =	vld [tilespmem:s16+$0x80];
	_ =	sdelay $0x1  }
0x51: {  	s30 =	simm.s32 $0x10  }
0x52: {  	s15 =	simm.s32 $0x20;
	s30 =	sand.u32 $0x70, s30  }
0x53: {  	s31 =	sand.u32 $0x7F00, s15;
	s0 =	simm.s32 $0xFA00;
	s16 =	simm.s32 $0x20  }
.LBB2_6:
0x54: {  	p1 =	sne.s32 s16, $0x31F0;
	s30 =	sor.u32 s30, s31;
	[tilespmem:s0+$0x0] =	vst v2  }
0x55: {  	v2 =	vld [tilespmem:s30+$0x0];
	_ =	sdelay $0x3  }
0x56: {  	s21 =	sadd.s32 $0x10, s21  }
0x57: {  	[tilespmem:s21+$0x0] =	vst v2  }
.Ltmp4:
0x58: {  	v2 =	vld [tilespmem:s30+$0x80];
	(pc) =	sbr.rel @p1 .LBB2_6-.Ltmp4, $3  }
0x59: {  	_ =	sdelay $0x1  }
0x5a: {  	s15 =	sadd.s32 $0x20, s15;
	s0 =	sadd.s32 $0x10, s0  }
0x5b: {  	s31 =	sand.u32 $0x7F00, s15;
	s30 =	sand.u32 $0x70, s16;
	s16 =	sadd.s32 $0x10, s16  }
0x5c: {  	s15 =	sor.u32 s30, s31;
	[tilespmem:s0+$0x0] =	vst v2  }
0x5d: {  	v2 =	vld [tilespmem:s15+$0x0];
	_ =	sdelay $0x3  }
0x5e: {  	s16 =	sadd.s32 $0x10, s21  }
0x5f: {  	[tilespmem:s16+$0x0] =	vst v2  }
0x60: {  	v2 =	vld [tilespmem:s15+$0x80];
	_ =	sdelay $0x3  }
0x61: {  	s21 =	sadd.s32 $0x10, s0  }
0x62: {  	s15 =	simm.s32 $0x0;
	[tilespmem:s21+$0x0] =	vst v2  }
0x63: {  	[tilespmem:s15], [sflag:$0x1] =	stream.linear.gather [hbm4b:s7+s15], $0x6400, $0x38;
	[tilespmem:$0x18F00] =	vst v63  }
0x64: {  	s21 =	simm.s32 $0xC800  }
0x65: {  	[hbm4b:s8+s15] =	stream.linear.scatter [tilespmem:s21], [sflag:$0x3], $0x3200, $0x38;
	[tilespmem:$0x18F00] =	vst v63  }
0x66: {  	s0 =	simm.s32 $0xFA00  }
0x67: {  	[hbm4b:s9+s15] =	stream.linear.scatter [tilespmem:s0], [sflag:$0x3], $0x3200, $0x38;
	[tilespmem:$0x18F00] =	vst v63  }
0x68: {  	_ = 	snop  }
0x69: {  	[spmem:s2] =	stream.indirect.scatter.add.f32 [tilespmem:s24], [sflag:$0x4], $0x1, s0, s23, $0xb8;
	[tilespmem:$0x18F00] =	vst v63  }
0x6a: {  	_ =	swait.ge [sflag:s20], $0x3200  }
0x6b: {  	[sflag:s20] =	ssyncset.done $0x0  }
0x6c: {  	[sflag:s20] =	ssyncadd.s32 $0xFFFFCE00  }
0x6d: {  	_ =	swait.ge [sflag:s25], $0x3200  }
0x6e: {  	[sflag:s25] =	ssyncset.done $0x0  }
0x6f: {  	[sflag:s25] =	ssyncadd.s32 $0xFFFFCE00  }
0x70: {  	_ =	swait.ge [sflag:s25], $0x3200  }
0x71: {  	[sflag:s25] =	ssyncset.done $0x0  }
0x72: {  	[sflag:s25] =	ssyncadd.s32 $0xFFFFCE00  }
0x73: {  	_ =	swait.ge [sflag:s26], $0x6400  }
0x74: {  	s16 =	sand.u32 $0x70, s15;
	s15 =	sand.u32 $0x7F00, s15;
	[sflag:s26] =	ssyncset.done $0x0  }
0x75: {  	s16 =	sor.u32 s16, s15;
	[sflag:s26] =	ssyncadd.s32 $0xFFFF9C00  }
0x76: {  	v2 =	vld [tilespmem:s16+$0x6400];
	_ =	sdelay $0x4  }
0x77: {  	[tilespmem:s21+$0x0] =	vst v2  }
0x78: {  	v2 =	vld [tilespmem:s16+$0x6480];
	_ =	sdelay $0x2  }
0x79: {  	s30 =	simm.s32 $0x10;
	s15 =	simm.s32 $0x20  }
0x7a: {  	s30 =	sand.u32 $0x70, s30;
	s31 =	sand.u32 $0x7F00, s15;
	s16 =	simm.s32 $0x20  }
.LBB2_8:
0x7b: {  	p1 =	sne.s32 s16, $0x31F0;
	s30 =	sor.u32 s30, s31;
	[tilespmem:s0+$0x0] =	vst v2  }
0x7c: {  	v2 =	vld [tilespmem:s30+$0x6400];
	_ =	sdelay $0x3  }
0x7d: {  	s21 =	sadd.s32 $0x10, s21  }
0x7e: {  	[tilespmem:s21+$0x0] =	vst v2  }
.Ltmp5:
0x7f: {  	v2 =	vld [tilespmem:s30+$0x6480];
	(pc) =	sbr.rel @p1 .LBB2_8-.Ltmp5, $3  }
0x80: {  	_ =	sdelay $0x1  }
0x81: {  	s15 =	sadd.s32 $0x20, s15;
	s0 =	sadd.s32 $0x10, s0  }
0x82: {  	s31 =	sand.u32 $0x7F00, s15;
	s30 =	sand.u32 $0x70, s16;
	s16 =	sadd.s32 $0x10, s16  }
0x83: {  	s15 =	sor.u32 s30, s31;
	[tilespmem:s0+$0x0] =	vst v2  }
0x84: {  	v2 =	vld [tilespmem:s15+$0x6400];
	_ =	sdelay $0x3  }
0x85: {  	s16 =	sadd.s32 $0x10, s21  }
0x86: {  	[tilespmem:s16+$0x0] =	vst v2  }
0x87: {  	v2 =	vld [tilespmem:s15+$0x6480];
	_ =	sdelay $0x3  }
0x88: {  	s21 =	sadd.s32 $0x10, s0  }
0x89: {  	s0 =	simm.s32 @!p0 $0x0;
	s15 =	simm.s32 @!p0 $0x6400;
	[tilespmem:s21+$0x0] =	vst v2  }
0x8a: {  	[tilespmem:s15], [sflag:$0x2] =	stream.linear.gather @!p0 [hbm4b:s10+s0], $0x6400, $0x38;
	[tilespmem:$0x18F00] =	vst v63  }
0x8b: {  	s21 =	simm.s32 $0xC800;
	s15 =	simm.s32 $0x0  }
0x8c: {  	[hbm4b:s11+s15] =	stream.linear.scatter [tilespmem:s21], [sflag:$0x3], $0x3200, $0x38;
	[tilespmem:$0x18F00] =	vst v63  }
0x8d: {  	s0 =	simm.s32 $0xFA00  }
0x8e: {  	[hbm4b:s12+s15] =	stream.linear.scatter [tilespmem:s0], [sflag:$0x3], $0x3200, $0x38;
	[tilespmem:$0x18F00] =	vst v63  }
0x8f: {  	_ = 	snop  }
0x90: {  	[spmem:s2] =	stream.indirect.scatter.add.f32 [tilespmem:s24], [sflag:$0x4], $0x1, s0, s23, $0xb8;
	[tilespmem:$0x18F00] =	vst v63  }
0x91: {  	_ =	swait.ge [sflag:s20], $0x3200  }
0x92: {  	[sflag:s20] =	ssyncset.done $0x0  }
0x93: {  	[sflag:s20] =	ssyncadd.s32 $0xFFFFCE00  }
0x94: {  	_ =	swait.ge [sflag:s25], $0x3200  }
0x95: {  	[sflag:s25] =	ssyncset.done $0x0  }
0x96: {  	[sflag:s25] =	ssyncadd.s32 $0xFFFFCE00  }
0x97: {  	_ =	swait.ge [sflag:s25], $0x3200  }
0x98: {  	[sflag:s25] =	ssyncset.done $0x0  }
0x99: {  	[sflag:s25] =	ssyncadd.s32 $0xFFFFCE00  }
0x9a: {  	_ =	swait.ge [sflag:s22], $0x6400  }
0x9b: {  	s16 =	sand.u32 $0x70, s15;
	s15 =	sand.u32 $0x7F00, s15;
	[sflag:s22] =	ssyncset.done $0x0  }
0x9c: {  	s16 =	sor.u32 s16, s15;
	[sflag:s22] =	ssyncadd.s32 $0xFFFF9C00  }
0x9d: {  	v2 =	vld [tilespmem:s16+$0x0];
	_ =	sdelay $0x4  }
0x9e: {  	[tilespmem:s21+$0x0] =	vst v2  }
0x9f: {  	v2 =	vld [tilespmem:s16+$0x80];
	_ =	sdelay $0x2  }
0xa0: {  	s30 =	simm.s32 $0x10;
	s15 =	simm.s32 $0x20  }
0xa1: {  	s30 =	sand.u32 $0x70, s30;
	s31 =	sand.u32 $0x7F00, s15;
	s16 =	simm.s32 $0x20  }
.LBB2_10:
0xa2: {  	p1 =	sne.s32 s16, $0x31F0;
	s30 =	sor.u32 s30, s31;
	[tilespmem:s0+$0x0] =	vst v2  }
0xa3: {  	v2 =	vld [tilespmem:s30+$0x0];
	_ =	sdelay $0x3  }
0xa4: {  	s21 =	sadd.s32 $0x10, s21  }
0xa5: {  	[tilespmem:s21+$0x0] =	vst v2  }
.Ltmp6:
0xa6: {  	v2 =	vld [tilespmem:s30+$0x80];
	(pc) =	sbr.rel @p1 .LBB2_10-.Ltmp6, $3  }
0xa7: {  	_ =	sdelay $0x1  }
0xa8: {  	s15 =	sadd.s32 $0x20, s15;
	s0 =	sadd.s32 $0x10, s0  }
0xa9: {  	s31 =	sand.u32 $0x7F00, s15;
	s30 =	sand.u32 $0x70, s16;
	s16 =	sadd.s32 $0x10, s16  }
0xaa: {  	s15 =	sor.u32 s30, s31;
	[tilespmem:s0+$0x0] =	vst v2  }
0xab: {  	v2 =	vld [tilespmem:s15+$0x0];
	_ =	sdelay $0x3  }
0xac: {  	s16 =	sadd.s32 $0x10, s21  }
0xad: {  	[tilespmem:s16+$0x0] =	vst v2  }
0xae: {  	v2 =	vld [tilespmem:s15+$0x80];
	_ =	sdelay $0x3  }
0xaf: {  	s31 =	sadd.s32 $0x10, s0  }
0xb0: {  	[tilespmem:s31+$0x0] =	vst v2  }
0xb1: {  	[hbm4b:s13+s3] =	stream.linear.scatter [tilespmem:s28], [sflag:$0x3], $0x3200, $0x38;
	[tilespmem:$0x18F00] =	vst v63  }
0xb2: {  	_ = 	snop  }
0xb3: {  	[hbm4b:s14+s3] =	stream.linear.scatter [tilespmem:s29], [sflag:$0x3], $0x3200, $0x38;
	[tilespmem:$0x18F00] =	vst v63  }
0xb4: {  	_ = 	snop  }
0xb5: {  	[spmem:s2] =	stream.indirect.scatter.add.f32 [tilespmem:s24], [sflag:$0x4], $0x1, s29, s23, $0xb8;
	[tilespmem:$0x18F00] =	vst v63  }
0xb6: {  	_ =	swait.ge [sflag:s20], $0x3200  }
0xb7: {  	[sflag:s20] =	ssyncset.done $0x0  }
0xb8: {  	[sflag:s20] =	ssyncadd.s32 $0xFFFFCE00  }
0xb9: {  	_ =	swait.ge [sflag:s25], $0x3200  }
.Ltmp7:
0xba: {  	[sflag:s25] =	ssyncset.done $0x0;
	(pc) =	sbr.rel @p0 .LBB2_15-.Ltmp7, $4  }
0xbb: {  	[sflag:s25] =	ssyncadd.s32 $0xFFFFCE00  }
0xbc: {  	_ =	swait.ge [sflag:s25], $0x3200  }
0xbd: {  	[sflag:s25] =	ssyncset.done $0x0  }
0xbe: {  	[sflag:s25] =	ssyncadd.s32 $0xFFFFCE00  }
0xbf: {  	_ =	swait.ge [sflag:s26], $0x6400;
	s0 =	simm.s32 $0x0  }
0xc0: {  	[sflag:s26] =	ssyncset.done $0x0;
	s15 =	sand.u32 $0x70, s0;
	s0 =	sand.u32 $0x7F00, s0  }
0xc1: {  	[sflag:s26] =	ssyncadd.s32 $0xFFFF9C00;
	s16 =	sor.u32 s15, s0  }
0xc2: {  	v2 =	vld [tilespmem:s16+$0x6400];
	_ =	sdelay $0x3  }
0xc3: {  	s21 =	simm.s32 $0xC800  }
0xc4: {  	[tilespmem:s21+$0x0] =	vst v2  }
0xc5: {  	v2 =	vld [tilespmem:s16+$0x6480];
	_ =	sdelay $0x1  }
0xc6: {  	s30 =	simm.s32 $0x10  }
0xc7: {  	s30 =	sand.u32 $0x70, s30;
	s15 =	simm.s32 $0x20  }
0xc8: {  	s0 =	simm.s32 $0xFA00;
	s31 =	sand.u32 $0x7F00, s15;
	s16 =	simm.s32 $0x20  }
.LBB2_13:
0xc9: {  	p1 =	sne.s32 s16, $0x31F0;
	s30 =	sor.u32 s30, s31;
	[tilespmem:s0+$0x0] =	vst v2  }
0xca: {  	v2 =	vld [tilespmem:s30+$0x6400];
	_ =	sdelay $0x3  }
0xcb: {  	s21 =	sadd.s32 $0x10, s21  }
0xcc: {  	[tilespmem:s21+$0x0] =	vst v2  }
.Ltmp8:
0xcd: {  	v2 =	vld [tilespmem:s30+$0x6480];
	(pc) =	sbr.rel @p1 .LBB2_13-.Ltmp8, $3  }
0xce: {  	_ =	sdelay $0x1  }
0xcf: {  	s15 =	sadd.s32 $0x20, s15;
	s0 =	sadd.s32 $0x10, s0  }
0xd0: {  	s31 =	sand.u32 $0x7F00, s15;
	s30 =	sand.u32 $0x70, s16;
	s16 =	sadd.s32 $0x10, s16  }
.Ltmp9:
0xd1: {  	_ = 	snop;
	(pc) =	sbr.rel .LBB2_14-.Ltmp9, $1  }
0xd2: {  	_ =	sdelay $0x3  }
.LBB2_16:
0xd3: {  	_ =	sfence.sel $0x180000  }
0xd4: {  	[bflag:$0x0] =	sbarrier.arrive $0xFFFF  }
0xd5: {  	_ =	strace $0x90000047  }
0xd6: {  	s0 =	stileid.u32;
	[bflag:$0x2] =	sbarrier.arrive $0xFFFF  }
0xd7: {  	p0 =	sne.s32 s0, $0x0;
	s0 =	rddreg [dreg:$0x3]  }
0xd8: {  	s0 =	sadd.s32 @!p0 $0x100000, s0  }
0xd9: {  	[sflag:s0] =	ssyncadd.tile.s32 @!p0 $0x1;
	_ =	shalt  }
.Lfunc_end2:
_tile_overlayer_lowered:
.L_overlay_start_2:
0xda: {  	(tag) =	ssettag $0x2  }
0xdb: {  	s0 =	rddreg [dreg:$0x0];
	s2 =	stileid.u32  }
0xdc: {  	s1 =	rddreg [dreg:$0x1];
	p0 =	sne.s32 s2, $0x0  }
0xdd: {  	s3 =	rddreg [dreg:$0x2];
	[bflag:$0x3] =	sbarrier.arrive $0xFFFF;
	s2 =	simm.s32 @!p0 $0x1C04  }
0xde: {  	[timem:s3], [sflag:s2] =	dma.local @!p0 [hbm:s0], s1  }
0xdf: {  	s0 =	simm.s32 @!p0 $0x4  }
0xe0: {  	_ =	swait.ge @!p0 [sflag:s0], s1  }
0xe1: {  	s1 =	ssub.s32 @!p0 $0x0, s1;
	[sflag:s0] =	ssyncset.done @!p0 $0x0  }
0xe2: {  	[sflag:s0] =	ssyncadd.s32 @!p0 s1  }
0xe3: {  	[bflag:$0x3] =	sbarrier.arrive $0xFFFF  }
0xe4: {  	_ =	shalt  }

</sc_bundles>
